<compile_context>
chip_gen: v7x
topology: tpu7x:2x2x1
jax: 0.10.2.dev20260603
libtpu: 0.0.44.dev20260713+nightly
codegen_flags: <defaults>
</compile_context>

<pallas_src>
import functools

import jax
import jax.numpy as jnp
from jax import lax
from jax.experimental import pallas as pl
from jax.experimental.pallas import tpu as pltpu
from jax.experimental.pallas import tpu_sc as plsc

K = 5
RC = 128


def _topk_feat_body(N, x_ref, xr_ref, w1_ref, idx_ref, y_ref, z_ref):
    b = pl.program_id(0)
    r = pl.program_id(1)
    xb = x_ref[0]
    xr = xr_ref[0]
    d = lax.dot_general(xr, xb, (((0,), (0,)), ((), ())))
    xx_full = jnp.sum(xb * xb, axis=0, keepdims=True)
    xx_col = lax.transpose(jnp.sum(xr * xr, axis=0, keepdims=True),
                           (1, 0))
    inner = -2.0 * d
    pd = -xx_col - inner - xx_full
    cols = lax.broadcasted_iota(jnp.int32, (RC, N), 1)
    colsf = cols.astype(jnp.float32)
    base = b * N
    selfmask = cols == (lax.broadcasted_iota(jnp.int32, (RC, 1), 0) + r * RC)
    idx_ref[0, 0, :] = (jnp.squeeze(
        lax.broadcasted_iota(jnp.int32, (1, RC), 1), axis=0)
        + (base + r * RC))
    pd = jnp.where(selfmask, -jnp.inf, pd)
    for j in range(1, K):
        m = jnp.max(pd, axis=1, keepdims=True)
        amf = jnp.min(jnp.where(pd == m, colsf, float(N)), axis=1)
        idx_ref[0, j, :] = amf.astype(jnp.int32) + base
        pd = jnp.where(colsf == amf[:, None], -jnp.inf, pd)
    w1 = w1_ref[...]
    y_ref[0] = lax.dot_general(xr, w1[:, 0:3], (((0,), (1,)), ((), ())))
    z_ref[0] = lax.dot_general(xr, w1[:, 3:6], (((0,), (1,)), ((), ())))


def _topk_feat(x, W1):
    B, C, N = x.shape
    return pl.pallas_call(
        functools.partial(_topk_feat_body, N),
        grid=(B, N // RC),
        in_specs=[
            pl.BlockSpec((1, C, N), lambda b, r: (b, 0, 0)),
            pl.BlockSpec((1, C, RC), lambda b, r: (b, 0, r)),
            pl.BlockSpec((64, 6), lambda b, r: (0, 0)),
        ],
        out_specs=[
            pl.BlockSpec((1, K, RC), lambda b, r: (b, 0, r)),
            pl.BlockSpec((1, RC, 64), lambda b, r: (b, r, 0)),
            pl.BlockSpec((1, RC, 64), lambda b, r: (b, r, 0)),
        ],
        out_shape=[
            jax.ShapeDtypeStruct((B, K, N), jnp.int32),
            jax.ShapeDtypeStruct((B, N, 64), jnp.float32),
            jax.ShapeDtypeStruct((B, N, 64), jnp.float32),
        ],
    )(x, x, W1)


def _gather_sc(Yf, idx3, n_tasks, N):
    info = plsc.get_sparse_core_info()
    nc, ns = info.num_cores, info.num_subcores
    nw = nc * ns
    tpw = -(-n_tasks // nw)
    n_streams = N // 128
    mesh = plsc.VectorSubcoreMesh(core_axis_name="c", subcore_axis_name="s")

    @functools.partial(
        pl.kernel,
        mesh=mesh,
        compiler_params=pltpu.CompilerParams(use_tc_tiling_on_sc=False),
        out_type=jax.ShapeDtypeStruct((n_tasks, N // 2, 128), jnp.float32),
        scratch_types=[
            pltpu.VMEM((n_streams, 128), jnp.int32),
            pltpu.VMEM((N, 64), jnp.float32),
            pltpu.SemaphoreType.DMA,
        ],
    )
    def gk(yf_hbm, idx_hbm, out_hbm, idx_v, rows_v, sem):
        wid = lax.axis_index("s") * nc + lax.axis_index("c")
        for i in range(tpw):
            t = i * nw + wid

            @pl.when(t < n_tasks)
            def _():
                pltpu.sync_copy(idx_hbm.at[t], idx_v)
                cps = [
                    pltpu.async_copy(
                        yf_hbm.at[idx_v.at[jj]],
                        rows_v.at[pl.ds(jj * 128, 128)],
                        sem,
                    )
                    for jj in range(n_streams)
                ]
                for cp in cps:
                    cp.wait()
                pltpu.sync_copy(rows_v.at[pl.ds(0, N // 2)],
                                out_hbm.at[t, :, pl.ds(0, 64)])
                pltpu.sync_copy(rows_v.at[pl.ds(N // 2, N // 2)],
                                out_hbm.at[t, :, pl.ds(64, 64)])

    return gk(Yf, idx3)


def _chain_body(NB, g_ref, z_ref, w2_ref, w3_ref, w4_ref, w5_ref, out_ref):
    z = jnp.concatenate([z_ref[bb] for bb in range(NB)], axis=0)
    N = z.shape[0] // NB
    w2, w3, w4, w5 = w2_ref[...], w3_ref[...], w4_ref[...], w5_ref[...]
    dn = (((1,), (1,)), ((), ()))
    dot = functools.partial(lax.dot_general, dimension_numbers=dn,
                            preferred_element_type=jnp.float32)
    bf = jnp.bfloat16
    x1 = x2 = x3 = x4 = None
    for j in range(K):
        g = jnp.concatenate(
            [g_ref[bb, j][:, c * 64:(c + 1) * 64]
             for bb in range(NB) for c in range(2)], axis=0)
        h1 = jax.nn.relu(g + z)
        h2 = jax.nn.relu(dot(h1.astype(bf), w2))
        h3 = jax.nn.relu(dot(h2.astype(bf), w3))
        h4 = dot(h3.astype(bf), w4)
        if j == 0:
            x1, x2, x3, x4 = h1, h2, h3, h4
        else:
            x1 = jnp.maximum(x1, h1)
            x2 = jnp.maximum(x2, h2)
            x3 = jnp.maximum(x3, h3)
            x4 = jnp.maximum(x4, h4)
    x4 = jax.nn.relu(x4)
    cat = jnp.concatenate([x1, x2, x3, x4], axis=1)
    res = jax.nn.relu(
        lax.dot_general(w5, cat.astype(bf), (((1,), (1,)), ((), ())),
                        preferred_element_type=jnp.float32)
    )
    for bb in range(NB):
        out_ref[bb] = res[:, bb * N:(bb + 1) * N]


def _chain(G4, Z, W2, W3, W4, W5, NB=2):
    B, _, NH, _ = G4.shape
    N = NH * 2
    return pl.pallas_call(
        functools.partial(_chain_body, NB),
        grid=(B // NB,),
        in_specs=[
            pl.BlockSpec((NB, K, NH, 128), lambda b: (b, 0, 0, 0)),
            pl.BlockSpec((NB, N, 64), lambda b: (b, 0, 0)),
            pl.BlockSpec((64, 64), lambda b: (0, 0)),
            pl.BlockSpec((128, 64), lambda b: (0, 0)),
            pl.BlockSpec((256, 128), lambda b: (0, 0)),
            pl.BlockSpec((512, 512), lambda b: (0, 0)),
        ],
        out_specs=pl.BlockSpec((NB, 512, N), lambda b: (b, 0, 0)),
        out_shape=jax.ShapeDtypeStruct((B, 512, N), jnp.float32),
    )(G4, Z, W2.astype(jnp.bfloat16), W3.astype(jnp.bfloat16),
      W4.astype(jnp.bfloat16), W5.astype(jnp.bfloat16))


def kernel(x, W1, W2, W3, W4, W5):
    B, C, N = x.shape
    idx, Y, Z = _topk_feat(x, W1)
    n_tasks = B * K
    Yf = Y.reshape(B * N, 64)
    idx3 = idx.reshape(n_tasks, N // 128, 128)
    G = _gather_sc(Yf, idx3, n_tasks, N)
    G4 = G.reshape(B, K, N // 2, 128)
    return _chain(G4, Z, W2, W3, W4, W5)

# --- scband reference (transcript-rebuilt; emitter-appended) ---
"""Pipeline reference for scband-net-point-nr-v2-58153857188565 (READ-ONLY COPY).

The authoritative reference and input builder live on the scoring server;
editing this copy changes nothing except your own understanding.
"""

import jax, jax.numpy as jnp
import numpy as np

K_NN = 5

def _xavier(key, out_c, in_c):
    std = float(np.sqrt(2.0 / (in_c + out_c)))
    return jax.random.normal(key, (out_c, in_c), dtype=jnp.float32) * std

def setup_inputs(seed: int = 0) -> dict:
    key = jax.random.key(seed)
    ks = jax.random.split(key, 6)
    x = jax.random.normal(ks[0], (16, 3, 1024), dtype=jnp.float32)
    W1 = _xavier(ks[1], 64, 6)
    W2 = _xavier(ks[2], 64, 64)
    W3 = _xavier(ks[3], 128, 64)
    W4 = _xavier(ks[4], 256, 128)
    W5 = _xavier(ks[5], 512, 512)
    return {"x": x, "W1": W1, "W2": W2, "W3": W3, "W4": W4, "W5": W5}

def _knn(x, k):
    # x: [B, C, N]
    inner = -2.0 * jnp.einsum('bcn,bcm->bnm', x, x)
    xx = jnp.sum(x ** 2, axis=1, keepdims=True)  # [B,1,N]
    pd = -xx - inner - jnp.transpose(xx, (0, 2, 1))  # [B,N,N]
    _, idx = jax.lax.top_k(pd, k)  # [B,N,k]
    return idx

def _get_graph_feature(x, k=K_NN):
    B, C, N = x.shape
    idx = _knn(x, k)                          # [B,N,k]
    xt = jnp.transpose(x, (0, 2, 1))          # [B,N,C]
    feature = jax.vmap(lambda f, i: f[i])(xt, idx)  # [B,N,k,C]
    center = jnp.broadcast_to(xt[:, :, None, :], (B, N, k, C))
    feat = jnp.concatenate([feature, center], axis=3)  # [B,N,k,2C]
    return jnp.transpose(feat, (0, 3, 1, 2))           # [B,2C,N,k]

def _conv1x1(W, h):
    # W: [O, I], h: [B, I, N, K] -> [B, O, N, K]
    return jnp.einsum('oi,bink->bonk', W, h)

def reference(x, W1, W2, W3, W4, W5):
    B, num_dims, N = x.shape
    h = _get_graph_feature(x, K_NN)                 # [B,6,N,k]
    h = jax.nn.relu(_conv1x1(W1, h))
    x1 = jnp.max(h, axis=-1, keepdims=True)
    h = jax.nn.relu(_conv1x1(W2, h))
    x2 = jnp.max(h, axis=-1, keepdims=True)
    h = jax.nn.relu(_conv1x1(W3, h))
    x3 = jnp.max(h, axis=-1, keepdims=True)
    h = jax.nn.relu(_conv1x1(W4, h))
    x4 = jnp.max(h, axis=-1, keepdims=True)
    cat = jnp.concatenate([x1, x2, x3, x4], axis=1)  # [B,512,N,1]
    out = jax.nn.relu(_conv1x1(W5, cat)).reshape(B, -1, N)
    return out

if __name__ == "__main__":
    import jax
    _d = setup_inputs()
    print(jax.jit(kernel)(*tuple(_d.values())))

</pallas_src>

<mosaic_0001>
#map = affine_map<(d0, d1) -> (0, 0)>
#map1 = affine_map<(d0, d1) -> (0, 0, 0)>
module attributes {stable_mosaic.version = 14 : i64} {
  func.func @gk(%arg0: i32, %arg1: i32, %arg2: memref<16384x64xf32, #tpu.memory_space<hbm>>, %arg3: memref<80x8x128xi32, #tpu.memory_space<hbm>>, %arg4: memref<80x512x128xf32, #tpu.memory_space<hbm>>, %arg5: memref<8x128xi32, #tpu.memory_space<vmem>>, %arg6: memref<1024x64xf32, #tpu.memory_space<vmem>>, %arg7: memref<!tpu.dma_semaphore, #tpu.memory_space<semaphore_mem>>) attributes {dimension_semantics = [#tpu.dimension_semantics<core_parallel>, #tpu.dimension_semantics<subcore_parallel>], iteration_bounds = array<i64: 2, 16>, scalar_prefetch = 0 : i64, scratch_operands = 3 : i64, tpu.core_type = #tpu.core_type<sc_vector_subcore>, window_params = [{transform_indices = #map}, {transform_indices = #map1}, {transform_indices = #map1}]} {
    %mul3A = arith.constant 2 : i32
    %mul3A_0 = arith.muli %arg1, %mul3A : i32
    %add3A = arith.addi %mul3A_0, %arg0 : i32
    %add3A_1 = arith.constant 0 : i32
    %add3A_2 = arith.addi %add3A_1, %add3A : i32
    %lt3A = arith.constant 80 : i32
    %lt3A_3 = arith.cmpi slt, %add3A_2, %lt3A : i32
    %convert_element_type3A = arith.extui %lt3A_3 : i1 to i32
    %cond3A = arith.constant 0 : i32
    %cond3A_4 = arith.cmpi ne, %convert_element_type3A, %cond3A : i32
    scf.if %cond3A_4 {
      "tpu.region"() ({
        %run_scoped3A = tpu.sem_alloc : memref<!tpu.dma_semaphore, #tpu.memory_space<semaphore_mem>>
        %dma_start3A_177 = arith.constant 0 : i32
        %dma_start3A_178 = arith.constant 0 : i32
        %dma_start3A_179 = tpu.memref_slice %arg3[%add3A_2, %dma_start3A_177, %dma_start3A_178] : memref<80x8x128xi32, #tpu.memory_space<hbm>> -> memref<1x8x128xi32, #tpu.memory_space<hbm>>
        %dma_start3A_180 = tpu.memref_squeeze %dma_start3A_179 : memref<1x8x128xi32, #tpu.memory_space<hbm>> -> memref<8x128xi32, #tpu.memory_space<hbm>>
        %dma_start3A_181 = arith.constant 0 : i32
        %dma_start3A_182 = arith.constant 0 : i32
        %dma_start3A_183 = tpu.memref_slice %arg3[%add3A_2, %dma_start3A_181, %dma_start3A_182] : memref<80x8x128xi32, #tpu.memory_space<hbm>> -> memref<1x8x128xi32, #tpu.memory_space<hbm>>
        %dma_start3A_184 = tpu.memref_squeeze %dma_start3A_183 : memref<1x8x128xi32, #tpu.memory_space<hbm>> -> memref<8x128xi32, #tpu.memory_space<hbm>>
        tpu.enqueue_dma source(%dma_start3A_184 : memref<8x128xi32, #tpu.memory_space<hbm>>) target(%arg5 : memref<8x128xi32, #tpu.memory_space<vmem>>) target_semaphore(%run_scoped3A : memref<!tpu.dma_semaphore, #tpu.memory_space<semaphore_mem>>)
        %dma_wait3A_185 = arith.constant 0 : i32
        %dma_wait3A_186 = arith.constant 0 : i32
        %dma_wait3A_187 = tpu.memref_slice %arg3[%add3A_2, %dma_wait3A_185, %dma_wait3A_186] : memref<80x8x128xi32, #tpu.memory_space<hbm>> -> memref<1x8x128xi32, #tpu.memory_space<hbm>>
        %dma_wait3A_188 = tpu.memref_squeeze %dma_wait3A_187 : memref<1x8x128xi32, #tpu.memory_space<hbm>> -> memref<8x128xi32, #tpu.memory_space<hbm>>
        %dma_wait3A_189 = arith.constant 0 : i32
        %dma_wait3A_190 = arith.constant 0 : i32
        %dma_wait3A_191 = tpu.memref_slice %arg3[%add3A_2, %dma_wait3A_189, %dma_wait3A_190] : memref<80x8x128xi32, #tpu.memory_space<hbm>> -> memref<1x8x128xi32, #tpu.memory_space<hbm>>
        %dma_wait3A_192 = tpu.memref_squeeze %dma_wait3A_191 : memref<1x8x128xi32, #tpu.memory_space<hbm>> -> memref<8x128xi32, #tpu.memory_space<hbm>>
        tpu.wait_dma2 semaphore(%run_scoped3A : memref<!tpu.dma_semaphore, #tpu.memory_space<semaphore_mem>>) src(%dma_wait3A_192 : memref<8x128xi32, #tpu.memory_space<hbm>>) dst(%arg5 : memref<8x128xi32, #tpu.memory_space<vmem>>)
        tpu.yield
      }) : () -> ()
      %dma_start3A = arith.constant 0 : i32
      %dma_start3A_19 = arith.constant 0 : i32
      %dma_start3A_20 = arith.constant 0 : i32
      %dma_start3A_21 = tpu.memref_slice %arg6[%dma_start3A_19, %dma_start3A_20] : memref<1024x64xf32, #tpu.memory_space<vmem>> -> memref<128x64xf32, #tpu.memory_space<vmem>>
      %dma_start3A_22 = arith.constant 0 : i32
      %dma_start3A_23 = tpu.memref_slice %arg5[%dma_start3A, %dma_start3A_22] : memref<8x128xi32, #tpu.memory_space<vmem>> -> memref<1x128xi32, #tpu.memory_space<vmem>>
      %dma_start3A_24 = tpu.memref_squeeze %dma_start3A_23 : memref<1x128xi32, #tpu.memory_space<vmem>> -> memref<128xi32, #tpu.memory_space<vmem>>
      %dma_start3A_25 = arith.constant 0 : i32
      %dma_start3A_26 = arith.constant 0 : i32
      %dma_start3A_27 = tpu.memref_slice %arg2[%dma_start3A_25, %dma_start3A_26] : memref<16384x64xf32, #tpu.memory_space<hbm>> -> memref<16384x64xf32, #tpu.memory_space<hbm>>
      tpu.enqueue_indirect_dma source(%dma_start3A_27 : memref<16384x64xf32, #tpu.memory_space<hbm>>) target(%dma_start3A_21 : memref<128x64xf32, #tpu.memory_space<vmem>>) offsets(%dma_start3A_24 : memref<128xi32, #tpu.memory_space<vmem>>) semaphore(%arg7 : memref<!tpu.dma_semaphore, #tpu.memory_space<semaphore_mem>>)
      %dma_start3A_28 = arith.constant 1 : i32
      %dma_start3A_29 = arith.constant 128 : i32
      %dma_start3A_30 = arith.constant 0 : i32
      %dma_start3A_31 = tpu.memref_slice %arg6[%dma_start3A_29, %dma_start3A_30] : memref<1024x64xf32, #tpu.memory_space<vmem>> -> memref<128x64xf32, #tpu.memory_space<vmem>>
      %dma_start3A_32 = arith.constant 0 : i32
      %dma_start3A_33 = tpu.memref_slice %arg5[%dma_start3A_28, %dma_start3A_32] : memref<8x128xi32, #tpu.memory_space<vmem>> -> memref<1x128xi32, #tpu.memory_space<vmem>>
      %dma_start3A_34 = tpu.memref_squeeze %dma_start3A_33 : memref<1x128xi32, #tpu.memory_space<vmem>> -> memref<128xi32, #tpu.memory_space<vmem>>
      %dma_start3A_35 = arith.constant 0 : i32
      %dma_start3A_36 = arith.constant 0 : i32
      %dma_start3A_37 = tpu.memref_slice %arg2[%dma_start3A_35, %dma_start3A_36] : memref<16384x64xf32, #tpu.memory_space<hbm>> -> memref<16384x64xf32, #tpu.memory_space<hbm>>
      tpu.enqueue_indirect_dma source(%dma_start3A_37 : memref<16384x64xf32, #tpu.memory_space<hbm>>) target(%dma_start3A_31 : memref<128x64xf32, #tpu.memory_space<vmem>>) offsets(%dma_start3A_34 : memref<128xi32, #tpu.memory_space<vmem>>) semaphore(%arg7 : memref<!tpu.dma_semaphore, #tpu.memory_space<semaphore_mem>>)
      %dma_start3A_38 = arith.constant 2 : i32
      %dma_start3A_39 = arith.constant 256 : i32
      %dma_start3A_40 = arith.constant 0 : i32
      %dma_start3A_41 = tpu.memref_slice %arg6[%dma_start3A_39, %dma_start3A_40] : memref<1024x64xf32, #tpu.memory_space<vmem>> -> memref<128x64xf32, #tpu.memory_space<vmem>>
      %dma_start3A_42 = arith.constant 0 : i32
      %dma_start3A_43 = tpu.memref_slice %arg5[%dma_start3A_38, %dma_start3A_42] : memref<8x128xi32, #tpu.memory_space<vmem>> -> memref<1x128xi32, #tpu.memory_space<vmem>>
      %dma_start3A_44 = tpu.memref_squeeze %dma_start3A_43 : memref<1x128xi32, #tpu.memory_space<vmem>> -> memref<128xi32, #tpu.memory_space<vmem>>
      %dma_start3A_45 = arith.constant 0 : i32
      %dma_start3A_46 = arith.constant 0 : i32
      %dma_start3A_47 = tpu.memref_slice %arg2[%dma_start3A_45, %dma_start3A_46] : memref<16384x64xf32, #tpu.memory_space<hbm>> -> memref<16384x64xf32, #tpu.memory_space<hbm>>
      tpu.enqueue_indirect_dma source(%dma_start3A_47 : memref<16384x64xf32, #tpu.memory_space<hbm>>) target(%dma_start3A_41 : memref<128x64xf32, #tpu.memory_space<vmem>>) offsets(%dma_start3A_44 : memref<128xi32, #tpu.memory_space<vmem>>) semaphore(%arg7 : memref<!tpu.dma_semaphore, #tpu.memory_space<semaphore_mem>>)
      %dma_start3A_48 = arith.constant 3 : i32
      %dma_start3A_49 = arith.constant 384 : i32
      %dma_start3A_50 = arith.constant 0 : i32
      %dma_start3A_51 = tpu.memref_slice %arg6[%dma_start3A_49, %dma_start3A_50] : memref<1024x64xf32, #tpu.memory_space<vmem>> -> memref<128x64xf32, #tpu.memory_space<vmem>>
      %dma_start3A_52 = arith.constant 0 : i32
      %dma_start3A_53 = tpu.memref_slice %arg5[%dma_start3A_48, %dma_start3A_52] : memref<8x128xi32, #tpu.memory_space<vmem>> -> memref<1x128xi32, #tpu.memory_space<vmem>>
      %dma_start3A_54 = tpu.memref_squeeze %dma_start3A_53 : memref<1x128xi32, #tpu.memory_space<vmem>> -> memref<128xi32, #tpu.memory_space<vmem>>
      %dma_start3A_55 = arith.constant 0 : i32
      %dma_start3A_56 = arith.constant 0 : i32
      %dma_start3A_57 = tpu.memref_slice %arg2[%dma_start3A_55, %dma_start3A_56] : memref<16384x64xf32, #tpu.memory_space<hbm>> -> memref<16384x64xf32, #tpu.memory_space<hbm>>
      tpu.enqueue_indirect_dma source(%dma_start3A_57 : memref<16384x64xf32, #tpu.memory_space<hbm>>) target(%dma_start3A_51 : memref<128x64xf32, #tpu.memory_space<vmem>>) offsets(%dma_start3A_54 : memref<128xi32, #tpu.memory_space<vmem>>) semaphore(%arg7 : memref<!tpu.dma_semaphore, #tpu.memory_space<semaphore_mem>>)
      %dma_start3A_58 = arith.constant 4 : i32
      %dma_start3A_59 = arith.constant 512 : i32
      %dma_start3A_60 = arith.constant 0 : i32
      %dma_start3A_61 = tpu.memref_slice %arg6[%dma_start3A_59, %dma_start3A_60] : memref<1024x64xf32, #tpu.memory_space<vmem>> -> memref<128x64xf32, #tpu.memory_space<vmem>>
      %dma_start3A_62 = arith.constant 0 : i32
      %dma_start3A_63 = tpu.memref_slice %arg5[%dma_start3A_58, %dma_start3A_62] : memref<8x128xi32, #tpu.memory_space<vmem>> -> memref<1x128xi32, #tpu.memory_space<vmem>>
      %dma_start3A_64 = tpu.memref_squeeze %dma_start3A_63 : memref<1x128xi32, #tpu.memory_space<vmem>> -> memref<128xi32, #tpu.memory_space<vmem>>
      %dma_start3A_65 = arith.constant 0 : i32
      %dma_start3A_66 = arith.constant 0 : i32
      %dma_start3A_67 = tpu.memref_slice %arg2[%dma_start3A_65, %dma_start3A_66] : memref<16384x64xf32, #tpu.memory_space<hbm>> -> memref<16384x64xf32, #tpu.memory_space<hbm>>
      tpu.enqueue_indirect_dma source(%dma_start3A_67 : memref<16384x64xf32, #tpu.memory_space<hbm>>) target(%dma_start3A_61 : memref<128x64xf32, #tpu.memory_space<vmem>>) offsets(%dma_start3A_64 : memref<128xi32, #tpu.memory_space<vmem>>) semaphore(%arg7 : memref<!tpu.dma_semaphore, #tpu.memory_space<semaphore_mem>>)
      %dma_start3A_68 = arith.constant 5 : i32
      %dma_start3A_69 = arith.constant 640 : i32
      %dma_start3A_70 = arith.constant 0 : i32
      %dma_start3A_71 = tpu.memref_slice %arg6[%dma_start3A_69, %dma_start3A_70] : memref<1024x64xf32, #tpu.memory_space<vmem>> -> memref<128x64xf32, #tpu.memory_space<vmem>>
      %dma_start3A_72 = arith.constant 0 : i32
      %dma_start3A_73 = tpu.memref_slice %arg5[%dma_start3A_68, %dma_start3A_72] : memref<8x128xi32, #tpu.memory_space<vmem>> -> memref<1x128xi32, #tpu.memory_space<vmem>>
      %dma_start3A_74 = tpu.memref_squeeze %dma_start3A_73 : memref<1x128xi32, #tpu.memory_space<vmem>> -> memref<128xi32, #tpu.memory_space<vmem>>
      %dma_start3A_75 = arith.constant 0 : i32
      %dma_start3A_76 = arith.constant 0 : i32
      %dma_start3A_77 = tpu.memref_slice %arg2[%dma_start3A_75, %dma_start3A_76] : memref<16384x64xf32, #tpu.memory_space<hbm>> -> memref<16384x64xf32, #tpu.memory_space<hbm>>
      tpu.enqueue_indirect_dma source(%dma_start3A_77 : memref<16384x64xf32, #tpu.memory_space<hbm>>) target(%dma_start3A_71 : memref<128x64xf32, #tpu.memory_space<vmem>>) offsets(%dma_start3A_74 : memref<128xi32, #tpu.memory_space<vmem>>) semaphore(%arg7 : memref<!tpu.dma_semaphore, #tpu.memory_space<semaphore_mem>>)
      %dma_start3A_78 = arith.constant 6 : i32
      %dma_start3A_79 = arith.constant 768 : i32
      %dma_start3A_80 = arith.constant 0 : i32
      %dma_start3A_81 = tpu.memref_slice %arg6[%dma_start3A_79, %dma_start3A_80] : memref<1024x64xf32, #tpu.memory_space<vmem>> -> memref<128x64xf32, #tpu.memory_space<vmem>>
      %dma_start3A_82 = arith.constant 0 : i32
      %dma_start3A_83 = tpu.memref_slice %arg5[%dma_start3A_78, %dma_start3A_82] : memref<8x128xi32, #tpu.memory_space<vmem>> -> memref<1x128xi32, #tpu.memory_space<vmem>>
      %dma_start3A_84 = tpu.memref_squeeze %dma_start3A_83 : memref<1x128xi32, #tpu.memory_space<vmem>> -> memref<128xi32, #tpu.memory_space<vmem>>
      %dma_start3A_85 = arith.constant 0 : i32
      %dma_start3A_86 = arith.constant 0 : i32
      %dma_start3A_87 = tpu.memref_slice %arg2[%dma_start3A_85, %dma_start3A_86] : memref<16384x64xf32, #tpu.memory_space<hbm>> -> memref<16384x64xf32, #tpu.memory_space<hbm>>
      tpu.enqueue_indirect_dma source(%dma_start3A_87 : memref<16384x64xf32, #tpu.memory_space<hbm>>) target(%dma_start3A_81 : memref<128x64xf32, #tpu.memory_space<vmem>>) offsets(%dma_start3A_84 : memref<128xi32, #tpu.memory_space<vmem>>) semaphore(%arg7 : memref<!tpu.dma_semaphore, #tpu.memory_space<semaphore_mem>>)
      %dma_start3A_88 = arith.constant 7 : i32
      %dma_start3A_89 = arith.constant 896 : i32
      %dma_start3A_90 = arith.constant 0 : i32
      %dma_start3A_91 = tpu.memref_slice %arg6[%dma_start3A_89, %dma_start3A_90] : memref<1024x64xf32, #tpu.memory_space<vmem>> -> memref<128x64xf32, #tpu.memory_space<vmem>>
      %dma_start3A_92 = arith.constant 0 : i32
      %dma_start3A_93 = tpu.memref_slice %arg5[%dma_start3A_88, %dma_start3A_92] : memref<8x128xi32, #tpu.memory_space<vmem>> -> memref<1x128xi32, #tpu.memory_space<vmem>>
      %dma_start3A_94 = tpu.memref_squeeze %dma_start3A_93 : memref<1x128xi32, #tpu.memory_space<vmem>> -> memref<128xi32, #tpu.memory_space<vmem>>
      %dma_start3A_95 = arith.constant 0 : i32
      %dma_start3A_96 = arith.constant 0 : i32
      %dma_start3A_97 = tpu.memref_slice %arg2[%dma_start3A_95, %dma_start3A_96] : memref<16384x64xf32, #tpu.memory_space<hbm>> -> memref<16384x64xf32, #tpu.memory_space<hbm>>
      tpu.enqueue_indirect_dma source(%dma_start3A_97 : memref<16384x64xf32, #tpu.memory_space<hbm>>) target(%dma_start3A_91 : memref<128x64xf32, #tpu.memory_space<vmem>>) offsets(%dma_start3A_94 : memref<128xi32, #tpu.memory_space<vmem>>) semaphore(%arg7 : memref<!tpu.dma_semaphore, #tpu.memory_space<semaphore_mem>>)
      %dma_wait3A = arith.constant 0 : i32
      %dma_wait3A_98 = arith.constant 0 : i32
      %dma_wait3A_99 = arith.constant 0 : i32
      %dma_wait3A_100 = tpu.memref_slice %arg6[%dma_wait3A_98, %dma_wait3A_99] : memref<1024x64xf32, #tpu.memory_space<vmem>> -> memref<128x64xf32, #tpu.memory_space<vmem>>
      %dma_wait3A_101 = arith.constant 0 : i32
      %dma_wait3A_102 = tpu.memref_slice %arg5[%dma_wait3A, %dma_wait3A_101] : memref<8x128xi32, #tpu.memory_space<vmem>> -> memref<1x128xi32, #tpu.memory_space<vmem>>
      %dma_wait3A_103 = tpu.memref_squeeze %dma_wait3A_102 : memref<1x128xi32, #tpu.memory_space<vmem>> -> memref<128xi32, #tpu.memory_space<vmem>>
      %dma_wait3A_104 = arith.constant 0 : i32
      %dma_wait3A_105 = arith.constant 0 : i32
      %dma_wait3A_106 = tpu.memref_slice %arg2[%dma_wait3A_104, %dma_wait3A_105] : memref<16384x64xf32, #tpu.memory_space<hbm>> -> memref<16384x64xf32, #tpu.memory_space<hbm>>
      tpu.wait_indirect_dma semaphore(%arg7 : memref<!tpu.dma_semaphore, #tpu.memory_space<semaphore_mem>>) src(%dma_wait3A_106 : memref<16384x64xf32, #tpu.memory_space<hbm>>) dst(%dma_wait3A_100 : memref<128x64xf32, #tpu.memory_space<vmem>>)
      %dma_wait3A_107 = arith.constant 1 : i32
      %dma_wait3A_108 = arith.constant 128 : i32
      %dma_wait3A_109 = arith.constant 0 : i32
      %dma_wait3A_110 = tpu.memref_slice %arg6[%dma_wait3A_108, %dma_wait3A_109] : memref<1024x64xf32, #tpu.memory_space<vmem>> -> memref<128x64xf32, #tpu.memory_space<vmem>>
      %dma_wait3A_111 = arith.constant 0 : i32
      %dma_wait3A_112 = tpu.memref_slice %arg5[%dma_wait3A_107, %dma_wait3A_111] : memref<8x128xi32, #tpu.memory_space<vmem>> -> memref<1x128xi32, #tpu.memory_space<vmem>>
      %dma_wait3A_113 = tpu.memref_squeeze %dma_wait3A_112 : memref<1x128xi32, #tpu.memory_space<vmem>> -> memref<128xi32, #tpu.memory_space<vmem>>
      %dma_wait3A_114 = arith.constant 0 : i32
      %dma_wait3A_115 = arith.constant 0 : i32
      %dma_wait3A_116 = tpu.memref_slice %arg2[%dma_wait3A_114, %dma_wait3A_115] : memref<16384x64xf32, #tpu.memory_space<hbm>> -> memref<16384x64xf32, #tpu.memory_space<hbm>>
      tpu.wait_indirect_dma semaphore(%arg7 : memref<!tpu.dma_semaphore, #tpu.memory_space<semaphore_mem>>) src(%dma_wait3A_116 : memref<16384x64xf32, #tpu.memory_space<hbm>>) dst(%dma_wait3A_110 : memref<128x64xf32, #tpu.memory_space<vmem>>)
      %dma_wait3A_117 = arith.constant 2 : i32
      %dma_wait3A_118 = arith.constant 256 : i32
      %dma_wait3A_119 = arith.constant 0 : i32
      %dma_wait3A_120 = tpu.memref_slice %arg6[%dma_wait3A_118, %dma_wait3A_119] : memref<1024x64xf32, #tpu.memory_space<vmem>> -> memref<128x64xf32, #tpu.memory_space<vmem>>
      %dma_wait3A_121 = arith.constant 0 : i32
      %dma_wait3A_122 = tpu.memref_slice %arg5[%dma_wait3A_117, %dma_wait3A_121] : memref<8x128xi32, #tpu.memory_space<vmem>> -> memref<1x128xi32, #tpu.memory_space<vmem>>
      %dma_wait3A_123 = tpu.memref_squeeze %dma_wait3A_122 : memref<1x128xi32, #tpu.memory_space<vmem>> -> memref<128xi32, #tpu.memory_space<vmem>>
      %dma_wait3A_124 = arith.constant 0 : i32
      %dma_wait3A_125 = arith.constant 0 : i32
      %dma_wait3A_126 = tpu.memref_slice %arg2[%dma_wait3A_124, %dma_wait3A_125] : memref<16384x64xf32, #tpu.memory_space<hbm>> -> memref<16384x64xf32, #tpu.memory_space<hbm>>
      tpu.wait_indirect_dma semaphore(%arg7 : memref<!tpu.dma_semaphore, #tpu.memory_space<semaphore_mem>>) src(%dma_wait3A_126 : memref<16384x64xf32, #tpu.memory_space<hbm>>) dst(%dma_wait3A_120 : memref<128x64xf32, #tpu.memory_space<vmem>>)
      %dma_wait3A_127 = arith.constant 3 : i32
      %dma_wait3A_128 = arith.constant 384 : i32
      %dma_wait3A_129 = arith.constant 0 : i32
      %dma_wait3A_130 = tpu.memref_slice %arg6[%dma_wait3A_128, %dma_wait3A_129] : memref<1024x64xf32, #tpu.memory_space<vmem>> -> memref<128x64xf32, #tpu.memory_space<vmem>>
      %dma_wait3A_131 = arith.constant 0 : i32
      %dma_wait3A_132 = tpu.memref_slice %arg5[%dma_wait3A_127, %dma_wait3A_131] : memref<8x128xi32, #tpu.memory_space<vmem>> -> memref<1x128xi32, #tpu.memory_space<vmem>>
      %dma_wait3A_133 = tpu.memref_squeeze %dma_wait3A_132 : memref<1x128xi32, #tpu.memory_space<vmem>> -> memref<128xi32, #tpu.memory_space<vmem>>
      %dma_wait3A_134 = arith.constant 0 : i32
      %dma_wait3A_135 = arith.constant 0 : i32
      %dma_wait3A_136 = tpu.memref_slice %arg2[%dma_wait3A_134, %dma_wait3A_135] : memref<16384x64xf32, #tpu.memory_space<hbm>> -> memref<16384x64xf32, #tpu.memory_space<hbm>>
      tpu.wait_indirect_dma semaphore(%arg7 : memref<!tpu.dma_semaphore, #tpu.memory_space<semaphore_mem>>) src(%dma_wait3A_136 : memref<16384x64xf32, #tpu.memory_space<hbm>>) dst(%dma_wait3A_130 : memref<128x64xf32, #tpu.memory_space<vmem>>)
      %dma_wait3A_137 = arith.constant 4 : i32
      %dma_wait3A_138 = arith.constant 512 : i32
      %dma_wait3A_139 = arith.constant 0 : i32
      %dma_wait3A_140 = tpu.memref_slice %arg6[%dma_wait3A_138, %dma_wait3A_139] : memref<1024x64xf32, #tpu.memory_space<vmem>> -> memref<128x64xf32, #tpu.memory_space<vmem>>
      %dma_wait3A_141 = arith.constant 0 : i32
      %dma_wait3A_142 = tpu.memref_slice %arg5[%dma_wait3A_137, %dma_wait3A_141] : memref<8x128xi32, #tpu.memory_space<vmem>> -> memref<1x128xi32, #tpu.memory_space<vmem>>
      %dma_wait3A_143 = tpu.memref_squeeze %dma_wait3A_142 : memref<1x128xi32, #tpu.memory_space<vmem>> -> memref<128xi32, #tpu.memory_space<vmem>>
      %dma_wait3A_144 = arith.constant 0 : i32
      %dma_wait3A_145 = arith.constant 0 : i32
      %dma_wait3A_146 = tpu.memref_slice %arg2[%dma_wait3A_144, %dma_wait3A_145] : memref<16384x64xf32, #tpu.memory_space<hbm>> -> memref<16384x64xf32, #tpu.memory_space<hbm>>
      tpu.wait_indirect_dma semaphore(%arg7 : memref<!tpu.dma_semaphore, #tpu.memory_space<semaphore_mem>>) src(%dma_wait3A_146 : memref<16384x64xf32, #tpu.memory_space<hbm>>) dst(%dma_wait3A_140 : memref<128x64xf32, #tpu.memory_space<vmem>>)
      %dma_wait3A_147 = arith.constant 5 : i32
      %dma_wait3A_148 = arith.constant 640 : i32
      %dma_wait3A_149 = arith.constant 0 : i32
      %dma_wait3A_150 = tpu.memref_slice %arg6[%dma_wait3A_148, %dma_wait3A_149] : memref<1024x64xf32, #tpu.memory_space<vmem>> -> memref<128x64xf32, #tpu.memory_space<vmem>>
      %dma_wait3A_151 = arith.constant 0 : i32
      %dma_wait3A_152 = tpu.memref_slice %arg5[%dma_wait3A_147, %dma_wait3A_151] : memref<8x128xi32, #tpu.memory_space<vmem>> -> memref<1x128xi32, #tpu.memory_space<vmem>>
      %dma_wait3A_153 = tpu.memref_squeeze %dma_wait3A_152 : memref<1x128xi32, #tpu.memory_space<vmem>> -> memref<128xi32, #tpu.memory_space<vmem>>
      %dma_wait3A_154 = arith.constant 0 : i32
      %dma_wait3A_155 = arith.constant 0 : i32
      %dma_wait3A_156 = tpu.memref_slice %arg2[%dma_wait3A_154, %dma_wait3A_155] : memref<16384x64xf32, #tpu.memory_space<hbm>> -> memref<16384x64xf32, #tpu.memory_space<hbm>>
      tpu.wait_indirect_dma semaphore(%arg7 : memref<!tpu.dma_semaphore, #tpu.memory_space<semaphore_mem>>) src(%dma_wait3A_156 : memref<16384x64xf32, #tpu.memory_space<hbm>>) dst(%dma_wait3A_150 : memref<128x64xf32, #tpu.memory_space<vmem>>)
      %dma_wait3A_157 = arith.constant 6 : i32
      %dma_wait3A_158 = arith.constant 768 : i32
      %dma_wait3A_159 = arith.constant 0 : i32
      %dma_wait3A_160 = tpu.memref_slice %arg6[%dma_wait3A_158, %dma_wait3A_159] : memref<1024x64xf32, #tpu.memory_space<vmem>> -> memref<128x64xf32, #tpu.memory_space<vmem>>
      %dma_wait3A_161 = arith.constant 0 : i32
      %dma_wait3A_162 = tpu.memref_slice %arg5[%dma_wait3A_157, %dma_wait3A_161] : memref<8x128xi32, #tpu.memory_space<vmem>> -> memref<1x128xi32, #tpu.memory_space<vmem>>
      %dma_wait3A_163 = tpu.memref_squeeze %dma_wait3A_162 : memref<1x128xi32, #tpu.memory_space<vmem>> -> memref<128xi32, #tpu.memory_space<vmem>>
      %dma_wait3A_164 = arith.constant 0 : i32
      %dma_wait3A_165 = arith.constant 0 : i32
      %dma_wait3A_166 = tpu.memref_slice %arg2[%dma_wait3A_164, %dma_wait3A_165] : memref<16384x64xf32, #tpu.memory_space<hbm>> -> memref<16384x64xf32, #tpu.memory_space<hbm>>
      tpu.wait_indirect_dma semaphore(%arg7 : memref<!tpu.dma_semaphore, #tpu.memory_space<semaphore_mem>>) src(%dma_wait3A_166 : memref<16384x64xf32, #tpu.memory_space<hbm>>) dst(%dma_wait3A_160 : memref<128x64xf32, #tpu.memory_space<vmem>>)
      %dma_wait3A_167 = arith.constant 7 : i32
      %dma_wait3A_168 = arith.constant 896 : i32
      %dma_wait3A_169 = arith.constant 0 : i32
      %dma_wait3A_170 = tpu.memref_slice %arg6[%dma_wait3A_168, %dma_wait3A_169] : memref<1024x64xf32, #tpu.memory_space<vmem>> -> memref<128x64xf32, #tpu.memory_space<vmem>>
      %dma_wait3A_171 = arith.constant 0 : i32
      %dma_wait3A_172 = tpu.memref_slice %arg5[%dma_wait3A_167, %dma_wait3A_171] : memref<8x128xi32, #tpu.memory_space<vmem>> -> memref<1x128xi32, #tpu.memory_space<vmem>>
      %dma_wait3A_173 = tpu.memref_squeeze %dma_wait3A_172 : memref<1x128xi32, #tpu.memory_space<vmem>> -> memref<128xi32, #tpu.memory_space<vmem>>
      %dma_wait3A_174 = arith.constant 0 : i32
      %dma_wait3A_175 = arith.constant 0 : i32
      %dma_wait3A_176 = tpu.memref_slice %arg2[%dma_wait3A_174, %dma_wait3A_175] : memref<16384x64xf32, #tpu.memory_space<hbm>> -> memref<16384x64xf32, #tpu.memory_space<hbm>>
      tpu.wait_indirect_dma semaphore(%arg7 : memref<!tpu.dma_semaphore, #tpu.memory_space<semaphore_mem>>) src(%dma_wait3A_176 : memref<16384x64xf32, #tpu.memory_space<hbm>>) dst(%dma_wait3A_170 : memref<128x64xf32, #tpu.memory_space<vmem>>)
      "tpu.region"() ({
        %run_scoped3A = tpu.sem_alloc : memref<!tpu.dma_semaphore, #tpu.memory_space<semaphore_mem>>
        %dma_start3A_177 = arith.constant 0 : i32
        %dma_start3A_178 = arith.constant 0 : i32
        %dma_start3A_179 = tpu.memref_slice %arg6[%dma_start3A_177, %dma_start3A_178] : memref<1024x64xf32, #tpu.memory_space<vmem>> -> memref<512x64xf32, #tpu.memory_space<vmem>>
        %dma_start3A_180 = arith.constant 0 : i32
        %dma_start3A_181 = arith.constant 0 : i32
        %dma_start3A_182 = tpu.memref_slice %arg4[%add3A_2, %dma_start3A_180, %dma_start3A_181] : memref<80x512x128xf32, #tpu.memory_space<hbm>> -> memref<1x512x64xf32, #tpu.memory_space<hbm>>
        %dma_start3A_183 = tpu.memref_squeeze %dma_start3A_182 : memref<1x512x64xf32, #tpu.memory_space<hbm>> -> memref<512x64xf32, #tpu.memory_space<hbm>>
        %dma_start3A_184 = arith.constant 0 : i32
        %dma_start3A_185 = arith.constant 0 : i32
        %dma_start3A_186 = tpu.memref_slice %arg4[%add3A_2, %dma_start3A_184, %dma_start3A_185] : memref<80x512x128xf32, #tpu.memory_space<hbm>> -> memref<1x512x64xf32, #tpu.memory_space<hbm>>
        %dma_start3A_187 = tpu.memref_squeeze %dma_start3A_186 : memref<1x512x64xf32, #tpu.memory_space<hbm>> -> memref<512x64xf32, #tpu.memory_space<hbm>>
        %dma_start3A_188 = arith.constant 0 : i32
        %dma_start3A_189 = arith.constant 0 : i32
        %dma_start3A_190 = tpu.memref_slice %arg6[%dma_start3A_188, %dma_start3A_189] : memref<1024x64xf32, #tpu.memory_space<vmem>> -> memref<512x64xf32, #tpu.memory_space<vmem>>
        tpu.enqueue_dma source(%dma_start3A_190 : memref<512x64xf32, #tpu.memory_space<vmem>>) target(%dma_start3A_187 : memref<512x64xf32, #tpu.memory_space<hbm>>) target_semaphore(%run_scoped3A : memref<!tpu.dma_semaphore, #tpu.memory_space<semaphore_mem>>)
        %dma_wait3A_191 = arith.constant 0 : i32
        %dma_wait3A_192 = arith.constant 0 : i32
        %dma_wait3A_193 = tpu.memref_slice %arg6[%dma_wait3A_191, %dma_wait3A_192] : memref<1024x64xf32, #tpu.memory_space<vmem>> -> memref<512x64xf32, #tpu.memory_space<vmem>>
        %dma_wait3A_194 = arith.constant 0 : i32
        %dma_wait3A_195 = arith.constant 0 : i32
        %dma_wait3A_196 = tpu.memref_slice %arg4[%add3A_2, %dma_wait3A_194, %dma_wait3A_195] : memref<80x512x128xf32, #tpu.memory_space<hbm>> -> memref<1x512x64xf32, #tpu.memory_space<hbm>>
        %dma_wait3A_197 = tpu.memref_squeeze %dma_wait3A_196 : memref<1x512x64xf32, #tpu.memory_space<hbm>> -> memref<512x64xf32, #tpu.memory_space<hbm>>
        %dma_wait3A_198 = arith.constant 0 : i32
        %dma_wait3A_199 = arith.constant 0 : i32
        %dma_wait3A_200 = tpu.memref_slice %arg4[%add3A_2, %dma_wait3A_198, %dma_wait3A_199] : memref<80x512x128xf32, #tpu.memory_space<hbm>> -> memref<1x512x64xf32, #tpu.memory_space<hbm>>
        %dma_wait3A_201 = tpu.memref_squeeze %dma_wait3A_200 : memref<1x512x64xf32, #tpu.memory_space<hbm>> -> memref<512x64xf32, #tpu.memory_space<hbm>>
        %dma_wait3A_202 = arith.constant 0 : i32
        %dma_wait3A_203 = arith.constant 0 : i32
        %dma_wait3A_204 = tpu.memref_slice %arg6[%dma_wait3A_202, %dma_wait3A_203] : memref<1024x64xf32, #tpu.memory_space<vmem>> -> memref<512x64xf32, #tpu.memory_space<vmem>>
        tpu.wait_dma2 semaphore(%run_scoped3A : memref<!tpu.dma_semaphore, #tpu.memory_space<semaphore_mem>>) src(%dma_wait3A_204 : memref<512x64xf32, #tpu.memory_space<vmem>>) dst(%dma_wait3A_201 : memref<512x64xf32, #tpu.memory_space<hbm>>)
        tpu.yield
      }) : () -> ()
      "tpu.region"() ({
        %run_scoped3A = tpu.sem_alloc : memref<!tpu.dma_semaphore, #tpu.memory_space<semaphore_mem>>
        %dma_start3A_177 = arith.constant 512 : i32
        %dma_start3A_178 = arith.constant 0 : i32
        %dma_start3A_179 = tpu.memref_slice %arg6[%dma_start3A_177, %dma_start3A_178] : memref<1024x64xf32, #tpu.memory_space<vmem>> -> memref<512x64xf32, #tpu.memory_space<vmem>>
        %dma_start3A_180 = arith.constant 0 : i32
        %dma_start3A_181 = arith.constant 64 : i32
        %dma_start3A_182 = tpu.memref_slice %arg4[%add3A_2, %dma_start3A_180, %dma_start3A_181] : memref<80x512x128xf32, #tpu.memory_space<hbm>> -> memref<1x512x64xf32, #tpu.memory_space<hbm>>
        %dma_start3A_183 = tpu.memref_squeeze %dma_start3A_182 : memref<1x512x64xf32, #tpu.memory_space<hbm>> -> memref<512x64xf32, #tpu.memory_space<hbm>>
        %dma_start3A_184 = arith.constant 0 : i32
        %dma_start3A_185 = arith.constant 64 : i32
        %dma_start3A_186 = tpu.memref_slice %arg4[%add3A_2, %dma_start3A_184, %dma_start3A_185] : memref<80x512x128xf32, #tpu.memory_space<hbm>> -> memref<1x512x64xf32, #tpu.memory_space<hbm>>
        %dma_start3A_187 = tpu.memref_squeeze %dma_start3A_186 : memref<1x512x64xf32, #tpu.memory_space<hbm>> -> memref<512x64xf32, #tpu.memory_space<hbm>>
        %dma_start3A_188 = arith.constant 512 : i32
        %dma_start3A_189 = arith.constant 0 : i32
        %dma_start3A_190 = tpu.memref_slice %arg6[%dma_start3A_188, %dma_start3A_189] : memref<1024x64xf32, #tpu.memory_space<vmem>> -> memref<512x64xf32, #tpu.memory_space<vmem>>
        tpu.enqueue_dma source(%dma_start3A_190 : memref<512x64xf32, #tpu.memory_space<vmem>>) target(%dma_start3A_187 : memref<512x64xf32, #tpu.memory_space<hbm>>) target_semaphore(%run_scoped3A : memref<!tpu.dma_semaphore, #tpu.memory_space<semaphore_mem>>)
        %dma_wait3A_191 = arith.constant 512 : i32
        %dma_wait3A_192 = arith.constant 0 : i32
        %dma_wait3A_193 = tpu.memref_slice %arg6[%dma_wait3A_191, %dma_wait3A_192] : memref<1024x64xf32, #tpu.memory_space<vmem>> -> memref<512x64xf32, #tpu.memory_space<vmem>>
        %dma_wait3A_194 = arith.constant 0 : i32
        %dma_wait3A_195 = arith.constant 64 : i32
        %dma_wait3A_196 = tpu.memref_slice %arg4[%add3A_2, %dma_wait3A_194, %dma_wait3A_195] : memref<80x512x128xf32, #tpu.memory_space<hbm>> -> memref<1x512x64xf32, #tpu.memory_space<hbm>>
        %dma_wait3A_197 = tpu.memref_squeeze %dma_wait3A_196 : memref<1x512x64xf32, #tpu.memory_space<hbm>> -> memref<512x64xf32, #tpu.memory_space<hbm>>
        %dma_wait3A_198 = arith.constant 0 : i32
        %dma_wait3A_199 = arith.constant 64 : i32
        %dma_wait3A_200 = tpu.memref_slice %arg4[%add3A_2, %dma_wait3A_198, %dma_wait3A_199] : memref<80x512x128xf32, #tpu.memory_space<hbm>> -> memref<1x512x64xf32, #tpu.memory_space<hbm>>
        %dma_wait3A_201 = tpu.memref_squeeze %dma_wait3A_200 : memref<1x512x64xf32, #tpu.memory_space<hbm>> -> memref<512x64xf32, #tpu.memory_space<hbm>>
        %dma_wait3A_202 = arith.constant 512 : i32
        %dma_wait3A_203 = arith.constant 0 : i32
        %dma_wait3A_204 = tpu.memref_slice %arg6[%dma_wait3A_202, %dma_wait3A_203] : memref<1024x64xf32, #tpu.memory_space<vmem>> -> memref<512x64xf32, #tpu.memory_space<vmem>>
        tpu.wait_dma2 semaphore(%run_scoped3A : memref<!tpu.dma_semaphore, #tpu.memory_space<semaphore_mem>>) src(%dma_wait3A_204 : memref<512x64xf32, #tpu.memory_space<vmem>>) dst(%dma_wait3A_201 : memref<512x64xf32, #tpu.memory_space<hbm>>)
        tpu.yield
      }) : () -> ()
    } else {
    }
    %add3A_5 = arith.constant 32 : i32
    %add3A_6 = arith.addi %add3A_5, %add3A : i32
    %lt3A_7 = arith.constant 80 : i32
    %lt3A_8 = arith.cmpi slt, %add3A_6, %lt3A_7 : i32
    %convert_element_type3A_9 = arith.extui %lt3A_8 : i1 to i32
    %cond3A_10 = arith.constant 0 : i32
    %cond3A_11 = arith.cmpi ne, %convert_element_type3A_9, %cond3A_10 : i32
    scf.if %cond3A_11 {
      "tpu.region"() ({
        %run_scoped3A = tpu.sem_alloc : memref<!tpu.dma_semaphore, #tpu.memory_space<semaphore_mem>>
        %dma_start3A_177 = arith.constant 0 : i32
        %dma_start3A_178 = arith.constant 0 : i32
        %dma_start3A_179 = tpu.memref_slice %arg3[%add3A_6, %dma_start3A_177, %dma_start3A_178] : memref<80x8x128xi32, #tpu.memory_space<hbm>> -> memref<1x8x128xi32, #tpu.memory_space<hbm>>
        %dma_start3A_180 = tpu.memref_squeeze %dma_start3A_179 : memref<1x8x128xi32, #tpu.memory_space<hbm>> -> memref<8x128xi32, #tpu.memory_space<hbm>>
        %dma_start3A_181 = arith.constant 0 : i32
        %dma_start3A_182 = arith.constant 0 : i32
        %dma_start3A_183 = tpu.memref_slice %arg3[%add3A_6, %dma_start3A_181, %dma_start3A_182] : memref<80x8x128xi32, #tpu.memory_space<hbm>> -> memref<1x8x128xi32, #tpu.memory_space<hbm>>
        %dma_start3A_184 = tpu.memref_squeeze %dma_start3A_183 : memref<1x8x128xi32, #tpu.memory_space<hbm>> -> memref<8x128xi32, #tpu.memory_space<hbm>>
        tpu.enqueue_dma source(%dma_start3A_184 : memref<8x128xi32, #tpu.memory_space<hbm>>) target(%arg5 : memref<8x128xi32, #tpu.memory_space<vmem>>) target_semaphore(%run_scoped3A : memref<!tpu.dma_semaphore, #tpu.memory_space<semaphore_mem>>)
        %dma_wait3A_185 = arith.constant 0 : i32
        %dma_wait3A_186 = arith.constant 0 : i32
        %dma_wait3A_187 = tpu.memref_slice %arg3[%add3A_6, %dma_wait3A_185, %dma_wait3A_186] : memref<80x8x128xi32, #tpu.memory_space<hbm>> -> memref<1x8x128xi32, #tpu.memory_space<hbm>>
        %dma_wait3A_188 = tpu.memref_squeeze %dma_wait3A_187 : memref<1x8x128xi32, #tpu.memory_space<hbm>> -> memref<8x128xi32, #tpu.memory_space<hbm>>
        %dma_wait3A_189 = arith.constant 0 : i32
        %dma_wait3A_190 = arith.constant 0 : i32
        %dma_wait3A_191 = tpu.memref_slice %arg3[%add3A_6, %dma_wait3A_189, %dma_wait3A_190] : memref<80x8x128xi32, #tpu.memory_space<hbm>> -> memref<1x8x128xi32, #tpu.memory_space<hbm>>
        %dma_wait3A_192 = tpu.memref_squeeze %dma_wait3A_191 : memref<1x8x128xi32, #tpu.memory_space<hbm>> -> memref<8x128xi32, #tpu.memory_space<hbm>>
        tpu.wait_dma2 semaphore(%run_scoped3A : memref<!tpu.dma_semaphore, #tpu.memory_space<semaphore_mem>>) src(%dma_wait3A_192 : memref<8x128xi32, #tpu.memory_space<hbm>>) dst(%arg5 : memref<8x128xi32, #tpu.memory_space<vmem>>)
        tpu.yield
      }) : () -> ()
      %dma_start3A = arith.constant 0 : i32
      %dma_start3A_19 = arith.constant 0 : i32
      %dma_start3A_20 = arith.constant 0 : i32
      %dma_start3A_21 = tpu.memref_slice %arg6[%dma_start3A_19, %dma_start3A_20] : memref<1024x64xf32, #tpu.memory_space<vmem>> -> memref<128x64xf32, #tpu.memory_space<vmem>>
      %dma_start3A_22 = arith.constant 0 : i32
      %dma_start3A_23 = tpu.memref_slice %arg5[%dma_start3A, %dma_start3A_22] : memref<8x128xi32, #tpu.memory_space<vmem>> -> memref<1x128xi32, #tpu.memory_space<vmem>>
      %dma_start3A_24 = tpu.memref_squeeze %dma_start3A_23 : memref<1x128xi32, #tpu.memory_space<vmem>> -> memref<128xi32, #tpu.memory_space<vmem>>
      %dma_start3A_25 = arith.constant 0 : i32
      %dma_start3A_26 = arith.constant 0 : i32
      %dma_start3A_27 = tpu.memref_slice %arg2[%dma_start3A_25, %dma_start3A_26] : memref<16384x64xf32, #tpu.memory_space<hbm>> -> memref<16384x64xf32, #tpu.memory_space<hbm>>
      tpu.enqueue_indirect_dma source(%dma_start3A_27 : memref<16384x64xf32, #tpu.memory_space<hbm>>) target(%dma_start3A_21 : memref<128x64xf32, #tpu.memory_space<vmem>>) offsets(%dma_start3A_24 : memref<128xi32, #tpu.memory_space<vmem>>) semaphore(%arg7 : memref<!tpu.dma_semaphore, #tpu.memory_space<semaphore_mem>>)
      %dma_start3A_28 = arith.constant 1 : i32
      %dma_start3A_29 = arith.constant 128 : i32
      %dma_start3A_30 = arith.constant 0 : i32
      %dma_start3A_31 = tpu.memref_slice %arg6[%dma_start3A_29, %dma_start3A_30] : memref<1024x64xf32, #tpu.memory_space<vmem>> -> memref<128x64xf32, #tpu.memory_space<vmem>>
      %dma_start3A_32 = arith.constant 0 : i32
      %dma_start3A_33 = tpu.memref_slice %arg5[%dma_start3A_28, %dma_start3A_32] : memref<8x128xi32, #tpu.memory_space<vmem>> -> memref<1x128xi32, #tpu.memory_space<vmem>>
      %dma_start3A_34 = tpu.memref_squeeze %dma_start3A_33 : memref<1x128xi32, #tpu.memory_space<vmem>> -> memref<128xi32, #tpu.memory_space<vmem>>
      %dma_start3A_35 = arith.constant 0 : i32
      %dma_start3A_36 = arith.constant 0 : i32
      %dma_start3A_37 = tpu.memref_slice %arg2[%dma_start3A_35, %dma_start3A_36] : memref<16384x64xf32, #tpu.memory_space<hbm>> -> memref<16384x64xf32, #tpu.memory_space<hbm>>
      tpu.enqueue_indirect_dma source(%dma_start3A_37 : memref<16384x64xf32, #tpu.memory_space<hbm>>) target(%dma_start3A_31 : memref<128x64xf32, #tpu.memory_space<vmem>>) offsets(%dma_start3A_34 : memref<128xi32, #tpu.memory_space<vmem>>) semaphore(%arg7 : memref<!tpu.dma_semaphore, #tpu.memory_space<semaphore_mem>>)
      %dma_start3A_38 = arith.constant 2 : i32
      %dma_start3A_39 = arith.constant 256 : i32
      %dma_start3A_40 = arith.constant 0 : i32
      %dma_start3A_41 = tpu.memref_slice %arg6[%dma_start3A_39, %dma_start3A_40] : memref<1024x64xf32, #tpu.memory_space<vmem>> -> memref<128x64xf32, #tpu.memory_space<vmem>>
      %dma_start3A_42 = arith.constant 0 : i32
      %dma_start3A_43 = tpu.memref_slice %arg5[%dma_start3A_38, %dma_start3A_42] : memref<8x128xi32, #tpu.memory_space<vmem>> -> memref<1x128xi32, #tpu.memory_space<vmem>>
      %dma_start3A_44 = tpu.memref_squeeze %dma_start3A_43 : memref<1x128xi32, #tpu.memory_space<vmem>> -> memref<128xi32, #tpu.memory_space<vmem>>
      %dma_start3A_45 = arith.constant 0 : i32
      %dma_start3A_46 = arith.constant 0 : i32
      %dma_start3A_47 = tpu.memref_slice %arg2[%dma_start3A_45, %dma_start3A_46] : memref<16384x64xf32, #tpu.memory_space<hbm>> -> memref<16384x64xf32, #tpu.memory_space<hbm>>
      tpu.enqueue_indirect_dma source(%dma_start3A_47 : memref<16384x64xf32, #tpu.memory_space<hbm>>) target(%dma_start3A_41 : memref<128x64xf32, #tpu.memory_space<vmem>>) offsets(%dma_start3A_44 : memref<128xi32, #tpu.memory_space<vmem>>) semaphore(%arg7 : memref<!tpu.dma_semaphore, #tpu.memory_space<semaphore_mem>>)
      %dma_start3A_48 = arith.constant 3 : i32
      %dma_start3A_49 = arith.constant 384 : i32
      %dma_start3A_50 = arith.constant 0 : i32
      %dma_start3A_51 = tpu.memref_slice %arg6[%dma_start3A_49, %dma_start3A_50] : memref<1024x64xf32, #tpu.memory_space<vmem>> -> memref<128x64xf32, #tpu.memory_space<vmem>>
      %dma_start3A_52 = arith.constant 0 : i32
      %dma_start3A_53 = tpu.memref_slice %arg5[%dma_start3A_48, %dma_start3A_52] : memref<8x128xi32, #tpu.memory_space<vmem>> -> memref<1x128xi32, #tpu.memory_space<vmem>>
      %dma_start3A_54 = tpu.memref_squeeze %dma_start3A_53 : memref<1x128xi32, #tpu.memory_space<vmem>> -> memref<128xi32, #tpu.memory_space<vmem>>
      %dma_start3A_55 = arith.constant 0 : i32
      %dma_start3A_56 = arith.constant 0 : i32
      %dma_start3A_57 = tpu.memref_slice %arg2[%dma_start3A_55, %dma_start3A_56] : memref<16384x64xf32, #tpu.memory_space<hbm>> -> memref<16384x64xf32, #tpu.memory_space<hbm>>
      tpu.enqueue_indirect_dma source(%dma_start3A_57 : memref<16384x64xf32, #tpu.memory_space<hbm>>) target(%dma_start3A_51 : memref<128x64xf32, #tpu.memory_space<vmem>>) offsets(%dma_start3A_54 : memref<128xi32, #tpu.memory_space<vmem>>) semaphore(%arg7 : memref<!tpu.dma_semaphore, #tpu.memory_space<semaphore_mem>>)
      %dma_start3A_58 = arith.constant 4 : i32
      %dma_start3A_59 = arith.constant 512 : i32
      %dma_start3A_60 = arith.constant 0 : i32
      %dma_start3A_61 = tpu.memref_slice %arg6[%dma_start3A_59, %dma_start3A_60] : memref<1024x64xf32, #tpu.memory_space<vmem>> -> memref<128x64xf32, #tpu.memory_space<vmem>>
      %dma_start3A_62 = arith.constant 0 : i32
      %dma_start3A_63 = tpu.memref_slice %arg5[%dma_start3A_58, %dma_start3A_62] : memref<8x128xi32, #tpu.memory_space<vmem>> -> memref<1x128xi32, #tpu.memory_space<vmem>>
      %dma_start3A_64 = tpu.memref_squeeze %dma_start3A_63 : memref<1x128xi32, #tpu.memory_space<vmem>> -> memref<128xi32, #tpu.memory_space<vmem>>
      %dma_start3A_65 = arith.constant 0 : i32
      %dma_start3A_66 = arith.constant 0 : i32
      %dma_start3A_67 = tpu.memref_slice %arg2[%dma_start3A_65, %dma_start3A_66] : memref<16384x64xf32, #tpu.memory_space<hbm>> -> memref<16384x64xf32, #tpu.memory_space<hbm>>
      tpu.enqueue_indirect_dma source(%dma_start3A_67 : memref<16384x64xf32, #tpu.memory_space<hbm>>) target(%dma_start3A_61 : memref<128x64xf32, #tpu.memory_space<vmem>>) offsets(%dma_start3A_64 : memref<128xi32, #tpu.memory_space<vmem>>) semaphore(%arg7 : memref<!tpu.dma_semaphore, #tpu.memory_space<semaphore_mem>>)
      %dma_start3A_68 = arith.constant 5 : i32
      %dma_start3A_69 = arith.constant 640 : i32
      %dma_start3A_70 = arith.constant 0 : i32
      %dma_start3A_71 = tpu.memref_slice %arg6[%dma_start3A_69, %dma_start3A_70] : memref<1024x64xf32, #tpu.memory_space<vmem>> -> memref<128x64xf32, #tpu.memory_space<vmem>>
      %dma_start3A_72 = arith.constant 0 : i32
      %dma_start3A_73 = tpu.memref_slice %arg5[%dma_start3A_68, %dma_start3A_72] : memref<8x128xi32, #tpu.memory_space<vmem>> -> memref<1x128xi32, #tpu.memory_space<vmem>>
      %dma_start3A_74 = tpu.memref_squeeze %dma_start3A_73 : memref<1x128xi32, #tpu.memory_space<vmem>> -> memref<128xi32, #tpu.memory_space<vmem>>
      %dma_start3A_75 = arith.constant 0 : i32
      %dma_start3A_76 = arith.constant 0 : i32
      %dma_start3A_77 = tpu.memref_slice %arg2[%dma_start3A_75, %dma_start3A_76] : memref<16384x64xf32, #tpu.memory_space<hbm>> -> memref<16384x64xf32, #tpu.memory_space<hbm>>
      tpu.enqueue_indirect_dma source(%dma_start3A_77 : memref<16384x64xf32, #tpu.memory_space<hbm>>) target(%dma_start3A_71 : memref<128x64xf32, #tpu.memory_space<vmem>>) offsets(%dma_start3A_74 : memref<128xi32, #tpu.memory_space<vmem>>) semaphore(%arg7 : memref<!tpu.dma_semaphore, #tpu.memory_space<semaphore_mem>>)
      %dma_start3A_78 = arith.constant 6 : i32
      %dma_start3A_79 = arith.constant 768 : i32
      %dma_start3A_80 = arith.constant 0 : i32
      %dma_start3A_81 = tpu.memref_slice %arg6[%dma_start3A_79, %dma_start3A_80] : memref<1024x64xf32, #tpu.memory_space<vmem>> -> memref<128x64xf32, #tpu.memory_space<vmem>>
      %dma_start3A_82 = arith.constant 0 : i32
      %dma_start3A_83 = tpu.memref_slice %arg5[%dma_start3A_78, %dma_start3A_82] : memref<8x128xi32, #tpu.memory_space<vmem>> -> memref<1x128xi32, #tpu.memory_space<vmem>>
      %dma_start3A_84 = tpu.memref_squeeze %dma_start3A_83 : memref<1x128xi32, #tpu.memory_space<vmem>> -> memref<128xi32, #tpu.memory_space<vmem>>
      %dma_start3A_85 = arith.constant 0 : i32
      %dma_start3A_86 = arith.constant 0 : i32
      %dma_start3A_87 = tpu.memref_slice %arg2[%dma_start3A_85, %dma_start3A_86] : memref<16384x64xf32, #tpu.memory_space<hbm>> -> memref<16384x64xf32, #tpu.memory_space<hbm>>
      tpu.enqueue_indirect_dma source(%dma_start3A_87 : memref<16384x64xf32, #tpu.memory_space<hbm>>) target(%dma_start3A_81 : memref<128x64xf32, #tpu.memory_space<vmem>>) offsets(%dma_start3A_84 : memref<128xi32, #tpu.memory_space<vmem>>) semaphore(%arg7 : memref<!tpu.dma_semaphore, #tpu.memory_space<semaphore_mem>>)
      %dma_start3A_88 = arith.constant 7 : i32
      %dma_start3A_89 = arith.constant 896 : i32
      %dma_start3A_90 = arith.constant 0 : i32
      %dma_start3A_91 = tpu.memref_slice %arg6[%dma_start3A_89, %dma_start3A_90] : memref<1024x64xf32, #tpu.memory_space<vmem>> -> memref<128x64xf32, #tpu.memory_space<vmem>>
      %dma_start3A_92 = arith.constant 0 : i32
      %dma_start3A_93 = tpu.memref_slice %arg5[%dma_start3A_88, %dma_start3A_92] : memref<8x128xi32, #tpu.memory_space<vmem>> -> memref<1x128xi32, #tpu.memory_space<vmem>>
      %dma_start3A_94 = tpu.memref_squeeze %dma_start3A_93 : memref<1x128xi32, #tpu.memory_space<vmem>> -> memref<128xi32, #tpu.memory_space<vmem>>
      %dma_start3A_95 = arith.constant 0 : i32
      %dma_start3A_96 = arith.constant 0 : i32
      %dma_start3A_97 = tpu.memref_slice %arg2[%dma_start3A_95, %dma_start3A_96] : memref<16384x64xf32, #tpu.memory_space<hbm>> -> memref<16384x64xf32, #tpu.memory_space<hbm>>
      tpu.enqueue_indirect_dma source(%dma_start3A_97 : memref<16384x64xf32, #tpu.memory_space<hbm>>) target(%dma_start3A_91 : memref<128x64xf32, #tpu.memory_space<vmem>>) offsets(%dma_start3A_94 : memref<128xi32, #tpu.memory_space<vmem>>) semaphore(%arg7 : memref<!tpu.dma_semaphore, #tpu.memory_space<semaphore_mem>>)
      %dma_wait3A = arith.constant 0 : i32
      %dma_wait3A_98 = arith.constant 0 : i32
      %dma_wait3A_99 = arith.constant 0 : i32
      %dma_wait3A_100 = tpu.memref_slice %arg6[%dma_wait3A_98, %dma_wait3A_99] : memref<1024x64xf32, #tpu.memory_space<vmem>> -> memref<128x64xf32, #tpu.memory_space<vmem>>
      %dma_wait3A_101 = arith.constant 0 : i32
      %dma_wait3A_102 = tpu.memref_slice %arg5[%dma_wait3A, %dma_wait3A_101] : memref<8x128xi32, #tpu.memory_space<vmem>> -> memref<1x128xi32, #tpu.memory_space<vmem>>
      %dma_wait3A_103 = tpu.memref_squeeze %dma_wait3A_102 : memref<1x128xi32, #tpu.memory_space<vmem>> -> memref<128xi32, #tpu.memory_space<vmem>>
      %dma_wait3A_104 = arith.constant 0 : i32
      %dma_wait3A_105 = arith.constant 0 : i32
      %dma_wait3A_106 = tpu.memref_slice %arg2[%dma_wait3A_104, %dma_wait3A_105] : memref<16384x64xf32, #tpu.memory_space<hbm>> -> memref<16384x64xf32, #tpu.memory_space<hbm>>
      tpu.wait_indirect_dma semaphore(%arg7 : memref<!tpu.dma_semaphore, #tpu.memory_space<semaphore_mem>>) src(%dma_wait3A_106 : memref<16384x64xf32, #tpu.memory_space<hbm>>) dst(%dma_wait3A_100 : memref<128x64xf32, #tpu.memory_space<vmem>>)
      %dma_wait3A_107 = arith.constant 1 : i32
      %dma_wait3A_108 = arith.constant 128 : i32
      %dma_wait3A_109 = arith.constant 0 : i32
      %dma_wait3A_110 = tpu.memref_slice %arg6[%dma_wait3A_108, %dma_wait3A_109] : memref<1024x64xf32, #tpu.memory_space<vmem>> -> memref<128x64xf32, #tpu.memory_space<vmem>>
      %dma_wait3A_111 = arith.constant 0 : i32
      %dma_wait3A_112 = tpu.memref_slice %arg5[%dma_wait3A_107, %dma_wait3A_111] : memref<8x128xi32, #tpu.memory_space<vmem>> -> memref<1x128xi32, #tpu.memory_space<vmem>>
      %dma_wait3A_113 = tpu.memref_squeeze %dma_wait3A_112 : memref<1x128xi32, #tpu.memory_space<vmem>> -> memref<128xi32, #tpu.memory_space<vmem>>
      %dma_wait3A_114 = arith.constant 0 : i32
      %dma_wait3A_115 = arith.constant 0 : i32
      %dma_wait3A_116 = tpu.memref_slice %arg2[%dma_wait3A_114, %dma_wait3A_115] : memref<16384x64xf32, #tpu.memory_space<hbm>> -> memref<16384x64xf32, #tpu.memory_space<hbm>>
      tpu.wait_indirect_dma semaphore(%arg7 : memref<!tpu.dma_semaphore, #tpu.memory_space<semaphore_mem>>) src(%dma_wait3A_116 : memref<16384x64xf32, #tpu.memory_space<hbm>>) dst(%dma_wait3A_110 : memref<128x64xf32, #tpu.memory_space<vmem>>)
      %dma_wait3A_117 = arith.constant 2 : i32
      %dma_wait3A_118 = arith.constant 256 : i32
      %dma_wait3A_119 = arith.constant 0 : i32
      %dma_wait3A_120 = tpu.memref_slice %arg6[%dma_wait3A_118, %dma_wait3A_119] : memref<1024x64xf32, #tpu.memory_space<vmem>> -> memref<128x64xf32, #tpu.memory_space<vmem>>
      %dma_wait3A_121 = arith.constant 0 : i32
      %dma_wait3A_122 = tpu.memref_slice %arg5[%dma_wait3A_117, %dma_wait3A_121] : memref<8x128xi32, #tpu.memory_space<vmem>> -> memref<1x128xi32, #tpu.memory_space<vmem>>
      %dma_wait3A_123 = tpu.memref_squeeze %dma_wait3A_122 : memref<1x128xi32, #tpu.memory_space<vmem>> -> memref<128xi32, #tpu.memory_space<vmem>>
      %dma_wait3A_124 = arith.constant 0 : i32
      %dma_wait3A_125 = arith.constant 0 : i32
      %dma_wait3A_126 = tpu.memref_slice %arg2[%dma_wait3A_124, %dma_wait3A_125] : memref<16384x64xf32, #tpu.memory_space<hbm>> -> memref<16384x64xf32, #tpu.memory_space<hbm>>
      tpu.wait_indirect_dma semaphore(%arg7 : memref<!tpu.dma_semaphore, #tpu.memory_space<semaphore_mem>>) src(%dma_wait3A_126 : memref<16384x64xf32, #tpu.memory_space<hbm>>) dst(%dma_wait3A_120 : memref<128x64xf32, #tpu.memory_space<vmem>>)
      %dma_wait3A_127 = arith.constant 3 : i32
      %dma_wait3A_128 = arith.constant 384 : i32
      %dma_wait3A_129 = arith.constant 0 : i32
      %dma_wait3A_130 = tpu.memref_slice %arg6[%dma_wait3A_128, %dma_wait3A_129] : memref<1024x64xf32, #tpu.memory_space<vmem>> -> memref<128x64xf32, #tpu.memory_space<vmem>>
      %dma_wait3A_131 = arith.constant 0 : i32
      %dma_wait3A_132 = tpu.memref_slice %arg5[%dma_wait3A_127, %dma_wait3A_131] : memref<8x128xi32, #tpu.memory_space<vmem>> -> memref<1x128xi32, #tpu.memory_space<vmem>>
      %dma_wait3A_133 = tpu.memref_squeeze %dma_wait3A_132 : memref<1x128xi32, #tpu.memory_space<vmem>> -> memref<128xi32, #tpu.memory_space<vmem>>
      %dma_wait3A_134 = arith.constant 0 : i32
      %dma_wait3A_135 = arith.constant 0 : i32
      %dma_wait3A_136 = tpu.memref_slice %arg2[%dma_wait3A_134, %dma_wait3A_135] : memref<16384x64xf32, #tpu.memory_space<hbm>> -> memref<16384x64xf32, #tpu.memory_space<hbm>>
      tpu.wait_indirect_dma semaphore(%arg7 : memref<!tpu.dma_semaphore, #tpu.memory_space<semaphore_mem>>) src(%dma_wait3A_136 : memref<16384x64xf32, #tpu.memory_space<hbm>>) dst(%dma_wait3A_130 : memref<128x64xf32, #tpu.memory_space<vmem>>)
      %dma_wait3A_137 = arith.constant 4 : i32
      %dma_wait3A_138 = arith.constant 512 : i32
      %dma_wait3A_139 = arith.constant 0 : i32
      %dma_wait3A_140 = tpu.memref_slice %arg6[%dma_wait3A_138, %dma_wait3A_139] : memref<1024x64xf32, #tpu.memory_space<vmem>> -> memref<128x64xf32, #tpu.memory_space<vmem>>
      %dma_wait3A_141 = arith.constant 0 : i32
      %dma_wait3A_142 = tpu.memref_slice %arg5[%dma_wait3A_137, %dma_wait3A_141] : memref<8x128xi32, #tpu.memory_space<vmem>> -> memref<1x128xi32, #tpu.memory_space<vmem>>
      %dma_wait3A_143 = tpu.memref_squeeze %dma_wait3A_142 : memref<1x128xi32, #tpu.memory_space<vmem>> -> memref<128xi32, #tpu.memory_space<vmem>>
      %dma_wait3A_144 = arith.constant 0 : i32
      %dma_wait3A_145 = arith.constant 0 : i32
      %dma_wait3A_146 = tpu.memref_slice %arg2[%dma_wait3A_144, %dma_wait3A_145] : memref<16384x64xf32, #tpu.memory_space<hbm>> -> memref<16384x64xf32, #tpu.memory_space<hbm>>
      tpu.wait_indirect_dma semaphore(%arg7 : memref<!tpu.dma_semaphore, #tpu.memory_space<semaphore_mem>>) src(%dma_wait3A_146 : memref<16384x64xf32, #tpu.memory_space<hbm>>) dst(%dma_wait3A_140 : memref<128x64xf32, #tpu.memory_space<vmem>>)
      %dma_wait3A_147 = arith.constant 5 : i32
      %dma_wait3A_148 = arith.constant 640 : i32
      %dma_wait3A_149 = arith.constant 0 : i32
      %dma_wait3A_150 = tpu.memref_slice %arg6[%dma_wait3A_148, %dma_wait3A_149] : memref<1024x64xf32, #tpu.memory_space<vmem>> -> memref<128x64xf32, #tpu.memory_space<vmem>>
      %dma_wait3A_151 = arith.constant 0 : i32
      %dma_wait3A_152 = tpu.memref_slice %arg5[%dma_wait3A_147, %dma_wait3A_151] : memref<8x128xi32, #tpu.memory_space<vmem>> -> memref<1x128xi32, #tpu.memory_space<vmem>>
      %dma_wait3A_153 = tpu.memref_squeeze %dma_wait3A_152 : memref<1x128xi32, #tpu.memory_space<vmem>> -> memref<128xi32, #tpu.memory_space<vmem>>
      %dma_wait3A_154 = arith.constant 0 : i32
      %dma_wait3A_155 = arith.constant 0 : i32
      %dma_wait3A_156 = tpu.memref_slice %arg2[%dma_wait3A_154, %dma_wait3A_155] : memref<16384x64xf32, #tpu.memory_space<hbm>> -> memref<16384x64xf32, #tpu.memory_space<hbm>>
      tpu.wait_indirect_dma semaphore(%arg7 : memref<!tpu.dma_semaphore, #tpu.memory_space<semaphore_mem>>) src(%dma_wait3A_156 : memref<16384x64xf32, #tpu.memory_space<hbm>>) dst(%dma_wait3A_150 : memref<128x64xf32, #tpu.memory_space<vmem>>)
      %dma_wait3A_157 = arith.constant 6 : i32
      %dma_wait3A_158 = arith.constant 768 : i32
      %dma_wait3A_159 = arith.constant 0 : i32
      %dma_wait3A_160 = tpu.memref_slice %arg6[%dma_wait3A_158, %dma_wait3A_159] : memref<1024x64xf32, #tpu.memory_space<vmem>> -> memref<128x64xf32, #tpu.memory_space<vmem>>
      %dma_wait3A_161 = arith.constant 0 : i32
      %dma_wait3A_162 = tpu.memref_slice %arg5[%dma_wait3A_157, %dma_wait3A_161] : memref<8x128xi32, #tpu.memory_space<vmem>> -> memref<1x128xi32, #tpu.memory_space<vmem>>
      %dma_wait3A_163 = tpu.memref_squeeze %dma_wait3A_162 : memref<1x128xi32, #tpu.memory_space<vmem>> -> memref<128xi32, #tpu.memory_space<vmem>>
      %dma_wait3A_164 = arith.constant 0 : i32
      %dma_wait3A_165 = arith.constant 0 : i32
      %dma_wait3A_166 = tpu.memref_slice %arg2[%dma_wait3A_164, %dma_wait3A_165] : memref<16384x64xf32, #tpu.memory_space<hbm>> -> memref<16384x64xf32, #tpu.memory_space<hbm>>
      tpu.wait_indirect_dma semaphore(%arg7 : memref<!tpu.dma_semaphore, #tpu.memory_space<semaphore_mem>>) src(%dma_wait3A_166 : memref<16384x64xf32, #tpu.memory_space<hbm>>) dst(%dma_wait3A_160 : memref<128x64xf32, #tpu.memory_space<vmem>>)
      %dma_wait3A_167 = arith.constant 7 : i32
      %dma_wait3A_168 = arith.constant 896 : i32
      %dma_wait3A_169 = arith.constant 0 : i32
      %dma_wait3A_170 = tpu.memref_slice %arg6[%dma_wait3A_168, %dma_wait3A_169] : memref<1024x64xf32, #tpu.memory_space<vmem>> -> memref<128x64xf32, #tpu.memory_space<vmem>>
      %dma_wait3A_171 = arith.constant 0 : i32
      %dma_wait3A_172 = tpu.memref_slice %arg5[%dma_wait3A_167, %dma_wait3A_171] : memref<8x128xi32, #tpu.memory_space<vmem>> -> memref<1x128xi32, #tpu.memory_space<vmem>>
      %dma_wait3A_173 = tpu.memref_squeeze %dma_wait3A_172 : memref<1x128xi32, #tpu.memory_space<vmem>> -> memref<128xi32, #tpu.memory_space<vmem>>
      %dma_wait3A_174 = arith.constant 0 : i32
      %dma_wait3A_175 = arith.constant 0 : i32
      %dma_wait3A_176 = tpu.memref_slice %arg2[%dma_wait3A_174, %dma_wait3A_175] : memref<16384x64xf32, #tpu.memory_space<hbm>> -> memref<16384x64xf32, #tpu.memory_space<hbm>>
      tpu.wait_indirect_dma semaphore(%arg7 : memref<!tpu.dma_semaphore, #tpu.memory_space<semaphore_mem>>) src(%dma_wait3A_176 : memref<16384x64xf32, #tpu.memory_space<hbm>>) dst(%dma_wait3A_170 : memref<128x64xf32, #tpu.memory_space<vmem>>)
      "tpu.region"() ({
        %run_scoped3A = tpu.sem_alloc : memref<!tpu.dma_semaphore, #tpu.memory_space<semaphore_mem>>
        %dma_start3A_177 = arith.constant 0 : i32
        %dma_start3A_178 = arith.constant 0 : i32
        %dma_start3A_179 = tpu.memref_slice %arg6[%dma_start3A_177, %dma_start3A_178] : memref<1024x64xf32, #tpu.memory_space<vmem>> -> memref<512x64xf32, #tpu.memory_space<vmem>>
        %dma_start3A_180 = arith.constant 0 : i32
        %dma_start3A_181 = arith.constant 0 : i32
        %dma_start3A_182 = tpu.memref_slice %arg4[%add3A_6, %dma_start3A_180, %dma_start3A_181] : memref<80x512x128xf32, #tpu.memory_space<hbm>> -> memref<1x512x64xf32, #tpu.memory_space<hbm>>
        %dma_start3A_183 = tpu.memref_squeeze %dma_start3A_182 : memref<1x512x64xf32, #tpu.memory_space<hbm>> -> memref<512x64xf32, #tpu.memory_space<hbm>>
        %dma_start3A_184 = arith.constant 0 : i32
        %dma_start3A_185 = arith.constant 0 : i32
        %dma_start3A_186 = tpu.memref_slice %arg4[%add3A_6, %dma_start3A_184, %dma_start3A_185] : memref<80x512x128xf32, #tpu.memory_space<hbm>> -> memref<1x512x64xf32, #tpu.memory_space<hbm>>
        %dma_start3A_187 = tpu.memref_squeeze %dma_start3A_186 : memref<1x512x64xf32, #tpu.memory_space<hbm>> -> memref<512x64xf32, #tpu.memory_space<hbm>>
        %dma_start3A_188 = arith.constant 0 : i32
        %dma_start3A_189 = arith.constant 0 : i32
        %dma_start3A_190 = tpu.memref_slice %arg6[%dma_start3A_188, %dma_start3A_189] : memref<1024x64xf32, #tpu.memory_space<vmem>> -> memref<512x64xf32, #tpu.memory_space<vmem>>
        tpu.enqueue_dma source(%dma_start3A_190 : memref<512x64xf32, #tpu.memory_space<vmem>>) target(%dma_start3A_187 : memref<512x64xf32, #tpu.memory_space<hbm>>) target_semaphore(%run_scoped3A : memref<!tpu.dma_semaphore, #tpu.memory_space<semaphore_mem>>)
        %dma_wait3A_191 = arith.constant 0 : i32
        %dma_wait3A_192 = arith.constant 0 : i32
        %dma_wait3A_193 = tpu.memref_slice %arg6[%dma_wait3A_191, %dma_wait3A_192] : memref<1024x64xf32, #tpu.memory_space<vmem>> -> memref<512x64xf32, #tpu.memory_space<vmem>>
        %dma_wait3A_194 = arith.constant 0 : i32
        %dma_wait3A_195 = arith.constant 0 : i32
        %dma_wait3A_196 = tpu.memref_slice %arg4[%add3A_6, %dma_wait3A_194, %dma_wait3A_195] : memref<80x512x128xf32, #tpu.memory_space<hbm>> -> memref<1x512x64xf32, #tpu.memory_space<hbm>>
        %dma_wait3A_197 = tpu.memref_squeeze %dma_wait3A_196 : memref<1x512x64xf32, #tpu.memory_space<hbm>> -> memref<512x64xf32, #tpu.memory_space<hbm>>
        %dma_wait3A_198 = arith.constant 0 : i32
        %dma_wait3A_199 = arith.constant 0 : i32
        %dma_wait3A_200 = tpu.memref_slice %arg4[%add3A_6, %dma_wait3A_198, %dma_wait3A_199] : memref<80x512x128xf32, #tpu.memory_space<hbm>> -> memref<1x512x64xf32, #tpu.memory_space<hbm>>
        %dma_wait3A_201 = tpu.memref_squeeze %dma_wait3A_200 : memref<1x512x64xf32, #tpu.memory_space<hbm>> -> memref<512x64xf32, #tpu.memory_space<hbm>>
        %dma_wait3A_202 = arith.constant 0 : i32
        %dma_wait3A_203 = arith.constant 0 : i32
        %dma_wait3A_204 = tpu.memref_slice %arg6[%dma_wait3A_202, %dma_wait3A_203] : memref<1024x64xf32, #tpu.memory_space<vmem>> -> memref<512x64xf32, #tpu.memory_space<vmem>>
        tpu.wait_dma2 semaphore(%run_scoped3A : memref<!tpu.dma_semaphore, #tpu.memory_space<semaphore_mem>>) src(%dma_wait3A_204 : memref<512x64xf32, #tpu.memory_space<vmem>>) dst(%dma_wait3A_201 : memref<512x64xf32, #tpu.memory_space<hbm>>)
        tpu.yield
      }) : () -> ()
      "tpu.region"() ({
        %run_scoped3A = tpu.sem_alloc : memref<!tpu.dma_semaphore, #tpu.memory_space<semaphore_mem>>
        %dma_start3A_177 = arith.constant 512 : i32
        %dma_start3A_178 = arith.constant 0 : i32
        %dma_start3A_179 = tpu.memref_slice %arg6[%dma_start3A_177, %dma_start3A_178] : memref<1024x64xf32, #tpu.memory_space<vmem>> -> memref<512x64xf32, #tpu.memory_space<vmem>>
        %dma_start3A_180 = arith.constant 0 : i32
        %dma_start3A_181 = arith.constant 64 : i32
        %dma_start3A_182 = tpu.memref_slice %arg4[%add3A_6, %dma_start3A_180, %dma_start3A_181] : memref<80x512x128xf32, #tpu.memory_space<hbm>> -> memref<1x512x64xf32, #tpu.memory_space<hbm>>
        %dma_start3A_183 = tpu.memref_squeeze %dma_start3A_182 : memref<1x512x64xf32, #tpu.memory_space<hbm>> -> memref<512x64xf32, #tpu.memory_space<hbm>>
        %dma_start3A_184 = arith.constant 0 : i32
        %dma_start3A_185 = arith.constant 64 : i32
        %dma_start3A_186 = tpu.memref_slice %arg4[%add3A_6, %dma_start3A_184, %dma_start3A_185] : memref<80x512x128xf32, #tpu.memory_space<hbm>> -> memref<1x512x64xf32, #tpu.memory_space<hbm>>
        %dma_start3A_187 = tpu.memref_squeeze %dma_start3A_186 : memref<1x512x64xf32, #tpu.memory_space<hbm>> -> memref<512x64xf32, #tpu.memory_space<hbm>>
        %dma_start3A_188 = arith.constant 512 : i32
        %dma_start3A_189 = arith.constant 0 : i32
        %dma_start3A_190 = tpu.memref_slice %arg6[%dma_start3A_188, %dma_start3A_189] : memref<1024x64xf32, #tpu.memory_space<vmem>> -> memref<512x64xf32, #tpu.memory_space<vmem>>
        tpu.enqueue_dma source(%dma_start3A_190 : memref<512x64xf32, #tpu.memory_space<vmem>>) target(%dma_start3A_187 : memref<512x64xf32, #tpu.memory_space<hbm>>) target_semaphore(%run_scoped3A : memref<!tpu.dma_semaphore, #tpu.memory_space<semaphore_mem>>)
        %dma_wait3A_191 = arith.constant 512 : i32
        %dma_wait3A_192 = arith.constant 0 : i32
        %dma_wait3A_193 = tpu.memref_slice %arg6[%dma_wait3A_191, %dma_wait3A_192] : memref<1024x64xf32, #tpu.memory_space<vmem>> -> memref<512x64xf32, #tpu.memory_space<vmem>>
        %dma_wait3A_194 = arith.constant 0 : i32
        %dma_wait3A_195 = arith.constant 64 : i32
        %dma_wait3A_196 = tpu.memref_slice %arg4[%add3A_6, %dma_wait3A_194, %dma_wait3A_195] : memref<80x512x128xf32, #tpu.memory_space<hbm>> -> memref<1x512x64xf32, #tpu.memory_space<hbm>>
        %dma_wait3A_197 = tpu.memref_squeeze %dma_wait3A_196 : memref<1x512x64xf32, #tpu.memory_space<hbm>> -> memref<512x64xf32, #tpu.memory_space<hbm>>
        %dma_wait3A_198 = arith.constant 0 : i32
        %dma_wait3A_199 = arith.constant 64 : i32
        %dma_wait3A_200 = tpu.memref_slice %arg4[%add3A_6, %dma_wait3A_198, %dma_wait3A_199] : memref<80x512x128xf32, #tpu.memory_space<hbm>> -> memref<1x512x64xf32, #tpu.memory_space<hbm>>
        %dma_wait3A_201 = tpu.memref_squeeze %dma_wait3A_200 : memref<1x512x64xf32, #tpu.memory_space<hbm>> -> memref<512x64xf32, #tpu.memory_space<hbm>>
        %dma_wait3A_202 = arith.constant 512 : i32
        %dma_wait3A_203 = arith.constant 0 : i32
        %dma_wait3A_204 = tpu.memref_slice %arg6[%dma_wait3A_202, %dma_wait3A_203] : memref<1024x64xf32, #tpu.memory_space<vmem>> -> memref<512x64xf32, #tpu.memory_space<vmem>>
        tpu.wait_dma2 semaphore(%run_scoped3A : memref<!tpu.dma_semaphore, #tpu.memory_space<semaphore_mem>>) src(%dma_wait3A_204 : memref<512x64xf32, #tpu.memory_space<vmem>>) dst(%dma_wait3A_201 : memref<512x64xf32, #tpu.memory_space<hbm>>)
        tpu.yield
      }) : () -> ()
    } else {
    }
    %add3A_12 = arith.constant 64 : i32
    %add3A_13 = arith.addi %add3A_12, %add3A : i32
    %lt3A_14 = arith.constant 80 : i32
    %lt3A_15 = arith.cmpi slt, %add3A_13, %lt3A_14 : i32
    %convert_element_type3A_16 = arith.extui %lt3A_15 : i1 to i32
    %cond3A_17 = arith.constant 0 : i32
    %cond3A_18 = arith.cmpi ne, %convert_element_type3A_16, %cond3A_17 : i32
    scf.if %cond3A_18 {
      "tpu.region"() ({
        %run_scoped3A = tpu.sem_alloc : memref<!tpu.dma_semaphore, #tpu.memory_space<semaphore_mem>>
        %dma_start3A_177 = arith.constant 0 : i32
        %dma_start3A_178 = arith.constant 0 : i32
        %dma_start3A_179 = tpu.memref_slice %arg3[%add3A_13, %dma_start3A_177, %dma_start3A_178] : memref<80x8x128xi32, #tpu.memory_space<hbm>> -> memref<1x8x128xi32, #tpu.memory_space<hbm>>
        %dma_start3A_180 = tpu.memref_squeeze %dma_start3A_179 : memref<1x8x128xi32, #tpu.memory_space<hbm>> -> memref<8x128xi32, #tpu.memory_space<hbm>>
        %dma_start3A_181 = arith.constant 0 : i32
        %dma_start3A_182 = arith.constant 0 : i32
        %dma_start3A_183 = tpu.memref_slice %arg3[%add3A_13, %dma_start3A_181, %dma_start3A_182] : memref<80x8x128xi32, #tpu.memory_space<hbm>> -> memref<1x8x128xi32, #tpu.memory_space<hbm>>
        %dma_start3A_184 = tpu.memref_squeeze %dma_start3A_183 : memref<1x8x128xi32, #tpu.memory_space<hbm>> -> memref<8x128xi32, #tpu.memory_space<hbm>>
        tpu.enqueue_dma source(%dma_start3A_184 : memref<8x128xi32, #tpu.memory_space<hbm>>) target(%arg5 : memref<8x128xi32, #tpu.memory_space<vmem>>) target_semaphore(%run_scoped3A : memref<!tpu.dma_semaphore, #tpu.memory_space<semaphore_mem>>)
        %dma_wait3A_185 = arith.constant 0 : i32
        %dma_wait3A_186 = arith.constant 0 : i32
        %dma_wait3A_187 = tpu.memref_slice %arg3[%add3A_13, %dma_wait3A_185, %dma_wait3A_186] : memref<80x8x128xi32, #tpu.memory_space<hbm>> -> memref<1x8x128xi32, #tpu.memory_space<hbm>>
        %dma_wait3A_188 = tpu.memref_squeeze %dma_wait3A_187 : memref<1x8x128xi32, #tpu.memory_space<hbm>> -> memref<8x128xi32, #tpu.memory_space<hbm>>
        %dma_wait3A_189 = arith.constant 0 : i32
        %dma_wait3A_190 = arith.constant 0 : i32
        %dma_wait3A_191 = tpu.memref_slice %arg3[%add3A_13, %dma_wait3A_189, %dma_wait3A_190] : memref<80x8x128xi32, #tpu.memory_space<hbm>> -> memref<1x8x128xi32, #tpu.memory_space<hbm>>
        %dma_wait3A_192 = tpu.memref_squeeze %dma_wait3A_191 : memref<1x8x128xi32, #tpu.memory_space<hbm>> -> memref<8x128xi32, #tpu.memory_space<hbm>>
        tpu.wait_dma2 semaphore(%run_scoped3A : memref<!tpu.dma_semaphore, #tpu.memory_space<semaphore_mem>>) src(%dma_wait3A_192 : memref<8x128xi32, #tpu.memory_space<hbm>>) dst(%arg5 : memref<8x128xi32, #tpu.memory_space<vmem>>)
        tpu.yield
      }) : () -> ()
      %dma_start3A = arith.constant 0 : i32
      %dma_start3A_19 = arith.constant 0 : i32
      %dma_start3A_20 = arith.constant 0 : i32
      %dma_start3A_21 = tpu.memref_slice %arg6[%dma_start3A_19, %dma_start3A_20] : memref<1024x64xf32, #tpu.memory_space<vmem>> -> memref<128x64xf32, #tpu.memory_space<vmem>>
      %dma_start3A_22 = arith.constant 0 : i32
      %dma_start3A_23 = tpu.memref_slice %arg5[%dma_start3A, %dma_start3A_22] : memref<8x128xi32, #tpu.memory_space<vmem>> -> memref<1x128xi32, #tpu.memory_space<vmem>>
      %dma_start3A_24 = tpu.memref_squeeze %dma_start3A_23 : memref<1x128xi32, #tpu.memory_space<vmem>> -> memref<128xi32, #tpu.memory_space<vmem>>
      %dma_start3A_25 = arith.constant 0 : i32
      %dma_start3A_26 = arith.constant 0 : i32
      %dma_start3A_27 = tpu.memref_slice %arg2[%dma_start3A_25, %dma_start3A_26] : memref<16384x64xf32, #tpu.memory_space<hbm>> -> memref<16384x64xf32, #tpu.memory_space<hbm>>
      tpu.enqueue_indirect_dma source(%dma_start3A_27 : memref<16384x64xf32, #tpu.memory_space<hbm>>) target(%dma_start3A_21 : memref<128x64xf32, #tpu.memory_space<vmem>>) offsets(%dma_start3A_24 : memref<128xi32, #tpu.memory_space<vmem>>) semaphore(%arg7 : memref<!tpu.dma_semaphore, #tpu.memory_space<semaphore_mem>>)
      %dma_start3A_28 = arith.constant 1 : i32
      %dma_start3A_29 = arith.constant 128 : i32
      %dma_start3A_30 = arith.constant 0 : i32
      %dma_start3A_31 = tpu.memref_slice %arg6[%dma_start3A_29, %dma_start3A_30] : memref<1024x64xf32, #tpu.memory_space<vmem>> -> memref<128x64xf32, #tpu.memory_space<vmem>>
      %dma_start3A_32 = arith.constant 0 : i32
      %dma_start3A_33 = tpu.memref_slice %arg5[%dma_start3A_28, %dma_start3A_32] : memref<8x128xi32, #tpu.memory_space<vmem>> -> memref<1x128xi32, #tpu.memory_space<vmem>>
      %dma_start3A_34 = tpu.memref_squeeze %dma_start3A_33 : memref<1x128xi32, #tpu.memory_space<vmem>> -> memref<128xi32, #tpu.memory_space<vmem>>
      %dma_start3A_35 = arith.constant 0 : i32
      %dma_start3A_36 = arith.constant 0 : i32
      %dma_start3A_37 = tpu.memref_slice %arg2[%dma_start3A_35, %dma_start3A_36] : memref<16384x64xf32, #tpu.memory_space<hbm>> -> memref<16384x64xf32, #tpu.memory_space<hbm>>
      tpu.enqueue_indirect_dma source(%dma_start3A_37 : memref<16384x64xf32, #tpu.memory_space<hbm>>) target(%dma_start3A_31 : memref<128x64xf32, #tpu.memory_space<vmem>>) offsets(%dma_start3A_34 : memref<128xi32, #tpu.memory_space<vmem>>) semaphore(%arg7 : memref<!tpu.dma_semaphore, #tpu.memory_space<semaphore_mem>>)
      %dma_start3A_38 = arith.constant 2 : i32
      %dma_start3A_39 = arith.constant 256 : i32
      %dma_start3A_40 = arith.constant 0 : i32
      %dma_start3A_41 = tpu.memref_slice %arg6[%dma_start3A_39, %dma_start3A_40] : memref<1024x64xf32, #tpu.memory_space<vmem>> -> memref<128x64xf32, #tpu.memory_space<vmem>>
      %dma_start3A_42 = arith.constant 0 : i32
      %dma_start3A_43 = tpu.memref_slice %arg5[%dma_start3A_38, %dma_start3A_42] : memref<8x128xi32, #tpu.memory_space<vmem>> -> memref<1x128xi32, #tpu.memory_space<vmem>>
      %dma_start3A_44 = tpu.memref_squeeze %dma_start3A_43 : memref<1x128xi32, #tpu.memory_space<vmem>> -> memref<128xi32, #tpu.memory_space<vmem>>
      %dma_start3A_45 = arith.constant 0 : i32
      %dma_start3A_46 = arith.constant 0 : i32
      %dma_start3A_47 = tpu.memref_slice %arg2[%dma_start3A_45, %dma_start3A_46] : memref<16384x64xf32, #tpu.memory_space<hbm>> -> memref<16384x64xf32, #tpu.memory_space<hbm>>
      tpu.enqueue_indirect_dma source(%dma_start3A_47 : memref<16384x64xf32, #tpu.memory_space<hbm>>) target(%dma_start3A_41 : memref<128x64xf32, #tpu.memory_space<vmem>>) offsets(%dma_start3A_44 : memref<128xi32, #tpu.memory_space<vmem>>) semaphore(%arg7 : memref<!tpu.dma_semaphore, #tpu.memory_space<semaphore_mem>>)
      %dma_start3A_48 = arith.constant 3 : i32
      %dma_start3A_49 = arith.constant 384 : i32
      %dma_start3A_50 = arith.constant 0 : i32
      %dma_start3A_51 = tpu.memref_slice %arg6[%dma_start3A_49, %dma_start3A_50] : memref<1024x64xf32, #tpu.memory_space<vmem>> -> memref<128x64xf32, #tpu.memory_space<vmem>>
      %dma_start3A_52 = arith.constant 0 : i32
      %dma_start3A_53 = tpu.memref_slice %arg5[%dma_start3A_48, %dma_start3A_52] : memref<8x128xi32, #tpu.memory_space<vmem>> -> memref<1x128xi32, #tpu.memory_space<vmem>>
      %dma_start3A_54 = tpu.memref_squeeze %dma_start3A_53 : memref<1x128xi32, #tpu.memory_space<vmem>> -> memref<128xi32, #tpu.memory_space<vmem>>
      %dma_start3A_55 = arith.constant 0 : i32
      %dma_start3A_56 = arith.constant 0 : i32
      %dma_start3A_57 = tpu.memref_slice %arg2[%dma_start3A_55, %dma_start3A_56] : memref<16384x64xf32, #tpu.memory_space<hbm>> -> memref<16384x64xf32, #tpu.memory_space<hbm>>
      tpu.enqueue_indirect_dma source(%dma_start3A_57 : memref<16384x64xf32, #tpu.memory_space<hbm>>) target(%dma_start3A_51 : memref<128x64xf32, #tpu.memory_space<vmem>>) offsets(%dma_start3A_54 : memref<128xi32, #tpu.memory_space<vmem>>) semaphore(%arg7 : memref<!tpu.dma_semaphore, #tpu.memory_space<semaphore_mem>>)
      %dma_start3A_58 = arith.constant 4 : i32
      %dma_start3A_59 = arith.constant 512 : i32
      %dma_start3A_60 = arith.constant 0 : i32
      %dma_start3A_61 = tpu.memref_slice %arg6[%dma_start3A_59, %dma_start3A_60] : memref<1024x64xf32, #tpu.memory_space<vmem>> -> memref<128x64xf32, #tpu.memory_space<vmem>>
      %dma_start3A_62 = arith.constant 0 : i32
      %dma_start3A_63 = tpu.memref_slice %arg5[%dma_start3A_58, %dma_start3A_62] : memref<8x128xi32, #tpu.memory_space<vmem>> -> memref<1x128xi32, #tpu.memory_space<vmem>>
      %dma_start3A_64 = tpu.memref_squeeze %dma_start3A_63 : memref<1x128xi32, #tpu.memory_space<vmem>> -> memref<128xi32, #tpu.memory_space<vmem>>
      %dma_start3A_65 = arith.constant 0 : i32
      %dma_start3A_66 = arith.constant 0 : i32
      %dma_start3A_67 = tpu.memref_slice %arg2[%dma_start3A_65, %dma_start3A_66] : memref<16384x64xf32, #tpu.memory_space<hbm>> -> memref<16384x64xf32, #tpu.memory_space<hbm>>
      tpu.enqueue_indirect_dma source(%dma_start3A_67 : memref<16384x64xf32, #tpu.memory_space<hbm>>) target(%dma_start3A_61 : memref<128x64xf32, #tpu.memory_space<vmem>>) offsets(%dma_start3A_64 : memref<128xi32, #tpu.memory_space<vmem>>) semaphore(%arg7 : memref<!tpu.dma_semaphore, #tpu.memory_space<semaphore_mem>>)
      %dma_start3A_68 = arith.constant 5 : i32
      %dma_start3A_69 = arith.constant 640 : i32
      %dma_start3A_70 = arith.constant 0 : i32
      %dma_start3A_71 = tpu.memref_slice %arg6[%dma_start3A_69, %dma_start3A_70] : memref<1024x64xf32, #tpu.memory_space<vmem>> -> memref<128x64xf32, #tpu.memory_space<vmem>>
      %dma_start3A_72 = arith.constant 0 : i32
      %dma_start3A_73 = tpu.memref_slice %arg5[%dma_start3A_68, %dma_start3A_72] : memref<8x128xi32, #tpu.memory_space<vmem>> -> memref<1x128xi32, #tpu.memory_space<vmem>>
      %dma_start3A_74 = tpu.memref_squeeze %dma_start3A_73 : memref<1x128xi32, #tpu.memory_space<vmem>> -> memref<128xi32, #tpu.memory_space<vmem>>
      %dma_start3A_75 = arith.constant 0 : i32
      %dma_start3A_76 = arith.constant 0 : i32
      %dma_start3A_77 = tpu.memref_slice %arg2[%dma_start3A_75, %dma_start3A_76] : memref<16384x64xf32, #tpu.memory_space<hbm>> -> memref<16384x64xf32, #tpu.memory_space<hbm>>
      tpu.enqueue_indirect_dma source(%dma_start3A_77 : memref<16384x64xf32, #tpu.memory_space<hbm>>) target(%dma_start3A_71 : memref<128x64xf32, #tpu.memory_space<vmem>>) offsets(%dma_start3A_74 : memref<128xi32, #tpu.memory_space<vmem>>) semaphore(%arg7 : memref<!tpu.dma_semaphore, #tpu.memory_space<semaphore_mem>>)
      %dma_start3A_78 = arith.constant 6 : i32
      %dma_start3A_79 = arith.constant 768 : i32
      %dma_start3A_80 = arith.constant 0 : i32
      %dma_start3A_81 = tpu.memref_slice %arg6[%dma_start3A_79, %dma_start3A_80] : memref<1024x64xf32, #tpu.memory_space<vmem>> -> memref<128x64xf32, #tpu.memory_space<vmem>>
      %dma_start3A_82 = arith.constant 0 : i32
      %dma_start3A_83 = tpu.memref_slice %arg5[%dma_start3A_78, %dma_start3A_82] : memref<8x128xi32, #tpu.memory_space<vmem>> -> memref<1x128xi32, #tpu.memory_space<vmem>>
      %dma_start3A_84 = tpu.memref_squeeze %dma_start3A_83 : memref<1x128xi32, #tpu.memory_space<vmem>> -> memref<128xi32, #tpu.memory_space<vmem>>
      %dma_start3A_85 = arith.constant 0 : i32
      %dma_start3A_86 = arith.constant 0 : i32
      %dma_start3A_87 = tpu.memref_slice %arg2[%dma_start3A_85, %dma_start3A_86] : memref<16384x64xf32, #tpu.memory_space<hbm>> -> memref<16384x64xf32, #tpu.memory_space<hbm>>
      tpu.enqueue_indirect_dma source(%dma_start3A_87 : memref<16384x64xf32, #tpu.memory_space<hbm>>) target(%dma_start3A_81 : memref<128x64xf32, #tpu.memory_space<vmem>>) offsets(%dma_start3A_84 : memref<128xi32, #tpu.memory_space<vmem>>) semaphore(%arg7 : memref<!tpu.dma_semaphore, #tpu.memory_space<semaphore_mem>>)
      %dma_start3A_88 = arith.constant 7 : i32
      %dma_start3A_89 = arith.constant 896 : i32
      %dma_start3A_90 = arith.constant 0 : i32
      %dma_start3A_91 = tpu.memref_slice %arg6[%dma_start3A_89, %dma_start3A_90] : memref<1024x64xf32, #tpu.memory_space<vmem>> -> memref<128x64xf32, #tpu.memory_space<vmem>>
      %dma_start3A_92 = arith.constant 0 : i32
      %dma_start3A_93 = tpu.memref_slice %arg5[%dma_start3A_88, %dma_start3A_92] : memref<8x128xi32, #tpu.memory_space<vmem>> -> memref<1x128xi32, #tpu.memory_space<vmem>>
      %dma_start3A_94 = tpu.memref_squeeze %dma_start3A_93 : memref<1x128xi32, #tpu.memory_space<vmem>> -> memref<128xi32, #tpu.memory_space<vmem>>
      %dma_start3A_95 = arith.constant 0 : i32
      %dma_start3A_96 = arith.constant 0 : i32
      %dma_start3A_97 = tpu.memref_slice %arg2[%dma_start3A_95, %dma_start3A_96] : memref<16384x64xf32, #tpu.memory_space<hbm>> -> memref<16384x64xf32, #tpu.memory_space<hbm>>
      tpu.enqueue_indirect_dma source(%dma_start3A_97 : memref<16384x64xf32, #tpu.memory_space<hbm>>) target(%dma_start3A_91 : memref<128x64xf32, #tpu.memory_space<vmem>>) offsets(%dma_start3A_94 : memref<128xi32, #tpu.memory_space<vmem>>) semaphore(%arg7 : memref<!tpu.dma_semaphore, #tpu.memory_space<semaphore_mem>>)
      %dma_wait3A = arith.constant 0 : i32
      %dma_wait3A_98 = arith.constant 0 : i32
      %dma_wait3A_99 = arith.constant 0 : i32
      %dma_wait3A_100 = tpu.memref_slice %arg6[%dma_wait3A_98, %dma_wait3A_99] : memref<1024x64xf32, #tpu.memory_space<vmem>> -> memref<128x64xf32, #tpu.memory_space<vmem>>
      %dma_wait3A_101 = arith.constant 0 : i32
      %dma_wait3A_102 = tpu.memref_slice %arg5[%dma_wait3A, %dma_wait3A_101] : memref<8x128xi32, #tpu.memory_space<vmem>> -> memref<1x128xi32, #tpu.memory_space<vmem>>
      %dma_wait3A_103 = tpu.memref_squeeze %dma_wait3A_102 : memref<1x128xi32, #tpu.memory_space<vmem>> -> memref<128xi32, #tpu.memory_space<vmem>>
      %dma_wait3A_104 = arith.constant 0 : i32
      %dma_wait3A_105 = arith.constant 0 : i32
      %dma_wait3A_106 = tpu.memref_slice %arg2[%dma_wait3A_104, %dma_wait3A_105] : memref<16384x64xf32, #tpu.memory_space<hbm>> -> memref<16384x64xf32, #tpu.memory_space<hbm>>
      tpu.wait_indirect_dma semaphore(%arg7 : memref<!tpu.dma_semaphore, #tpu.memory_space<semaphore_mem>>) src(%dma_wait3A_106 : memref<16384x64xf32, #tpu.memory_space<hbm>>) dst(%dma_wait3A_100 : memref<128x64xf32, #tpu.memory_space<vmem>>)
      %dma_wait3A_107 = arith.constant 1 : i32
      %dma_wait3A_108 = arith.constant 128 : i32
      %dma_wait3A_109 = arith.constant 0 : i32
      %dma_wait3A_110 = tpu.memref_slice %arg6[%dma_wait3A_108, %dma_wait3A_109] : memref<1024x64xf32, #tpu.memory_space<vmem>> -> memref<128x64xf32, #tpu.memory_space<vmem>>
      %dma_wait3A_111 = arith.constant 0 : i32
      %dma_wait3A_112 = tpu.memref_slice %arg5[%dma_wait3A_107, %dma_wait3A_111] : memref<8x128xi32, #tpu.memory_space<vmem>> -> memref<1x128xi32, #tpu.memory_space<vmem>>
      %dma_wait3A_113 = tpu.memref_squeeze %dma_wait3A_112 : memref<1x128xi32, #tpu.memory_space<vmem>> -> memref<128xi32, #tpu.memory_space<vmem>>
      %dma_wait3A_114 = arith.constant 0 : i32
      %dma_wait3A_115 = arith.constant 0 : i32
      %dma_wait3A_116 = tpu.memref_slice %arg2[%dma_wait3A_114, %dma_wait3A_115] : memref<16384x64xf32, #tpu.memory_space<hbm>> -> memref<16384x64xf32, #tpu.memory_space<hbm>>
      tpu.wait_indirect_dma semaphore(%arg7 : memref<!tpu.dma_semaphore, #tpu.memory_space<semaphore_mem>>) src(%dma_wait3A_116 : memref<16384x64xf32, #tpu.memory_space<hbm>>) dst(%dma_wait3A_110 : memref<128x64xf32, #tpu.memory_space<vmem>>)
      %dma_wait3A_117 = arith.constant 2 : i32
      %dma_wait3A_118 = arith.constant 256 : i32
      %dma_wait3A_119 = arith.constant 0 : i32
      %dma_wait3A_120 = tpu.memref_slice %arg6[%dma_wait3A_118, %dma_wait3A_119] : memref<1024x64xf32, #tpu.memory_space<vmem>> -> memref<128x64xf32, #tpu.memory_space<vmem>>
      %dma_wait3A_121 = arith.constant 0 : i32
      %dma_wait3A_122 = tpu.memref_slice %arg5[%dma_wait3A_117, %dma_wait3A_121] : memref<8x128xi32, #tpu.memory_space<vmem>> -> memref<1x128xi32, #tpu.memory_space<vmem>>
      %dma_wait3A_123 = tpu.memref_squeeze %dma_wait3A_122 : memref<1x128xi32, #tpu.memory_space<vmem>> -> memref<128xi32, #tpu.memory_space<vmem>>
      %dma_wait3A_124 = arith.constant 0 : i32
      %dma_wait3A_125 = arith.constant 0 : i32
      %dma_wait3A_126 = tpu.memref_slice %arg2[%dma_wait3A_124, %dma_wait3A_125] : memref<16384x64xf32, #tpu.memory_space<hbm>> -> memref<16384x64xf32, #tpu.memory_space<hbm>>
      tpu.wait_indirect_dma semaphore(%arg7 : memref<!tpu.dma_semaphore, #tpu.memory_space<semaphore_mem>>) src(%dma_wait3A_126 : memref<16384x64xf32, #tpu.memory_space<hbm>>) dst(%dma_wait3A_120 : memref<128x64xf32, #tpu.memory_space<vmem>>)
      %dma_wait3A_127 = arith.constant 3 : i32
      %dma_wait3A_128 = arith.constant 384 : i32
      %dma_wait3A_129 = arith.constant 0 : i32
      %dma_wait3A_130 = tpu.memref_slice %arg6[%dma_wait3A_128, %dma_wait3A_129] : memref<1024x64xf32, #tpu.memory_space<vmem>> -> memref<128x64xf32, #tpu.memory_space<vmem>>
      %dma_wait3A_131 = arith.constant 0 : i32
      %dma_wait3A_132 = tpu.memref_slice %arg5[%dma_wait3A_127, %dma_wait3A_131] : memref<8x128xi32, #tpu.memory_space<vmem>> -> memref<1x128xi32, #tpu.memory_space<vmem>>
      %dma_wait3A_133 = tpu.memref_squeeze %dma_wait3A_132 : memref<1x128xi32, #tpu.memory_space<vmem>> -> memref<128xi32, #tpu.memory_space<vmem>>
      %dma_wait3A_134 = arith.constant 0 : i32
      %dma_wait3A_135 = arith.constant 0 : i32
      %dma_wait3A_136 = tpu.memref_slice %arg2[%dma_wait3A_134, %dma_wait3A_135] : memref<16384x64xf32, #tpu.memory_space<hbm>> -> memref<16384x64xf32, #tpu.memory_space<hbm>>
      tpu.wait_indirect_dma semaphore(%arg7 : memref<!tpu.dma_semaphore, #tpu.memory_space<semaphore_mem>>) src(%dma_wait3A_136 : memref<16384x64xf32, #tpu.memory_space<hbm>>) dst(%dma_wait3A_130 : memref<128x64xf32, #tpu.memory_space<vmem>>)
      %dma_wait3A_137 = arith.constant 4 : i32
      %dma_wait3A_138 = arith.constant 512 : i32
      %dma_wait3A_139 = arith.constant 0 : i32
      %dma_wait3A_140 = tpu.memref_slice %arg6[%dma_wait3A_138, %dma_wait3A_139] : memref<1024x64xf32, #tpu.memory_space<vmem>> -> memref<128x64xf32, #tpu.memory_space<vmem>>
      %dma_wait3A_141 = arith.constant 0 : i32
      %dma_wait3A_142 = tpu.memref_slice %arg5[%dma_wait3A_137, %dma_wait3A_141] : memref<8x128xi32, #tpu.memory_space<vmem>> -> memref<1x128xi32, #tpu.memory_space<vmem>>
      %dma_wait3A_143 = tpu.memref_squeeze %dma_wait3A_142 : memref<1x128xi32, #tpu.memory_space<vmem>> -> memref<128xi32, #tpu.memory_space<vmem>>
      %dma_wait3A_144 = arith.constant 0 : i32
      %dma_wait3A_145 = arith.constant 0 : i32
      %dma_wait3A_146 = tpu.memref_slice %arg2[%dma_wait3A_144, %dma_wait3A_145] : memref<16384x64xf32, #tpu.memory_space<hbm>> -> memref<16384x64xf32, #tpu.memory_space<hbm>>
      tpu.wait_indirect_dma semaphore(%arg7 : memref<!tpu.dma_semaphore, #tpu.memory_space<semaphore_mem>>) src(%dma_wait3A_146 : memref<16384x64xf32, #tpu.memory_space<hbm>>) dst(%dma_wait3A_140 : memref<128x64xf32, #tpu.memory_space<vmem>>)
      %dma_wait3A_147 = arith.constant 5 : i32
      %dma_wait3A_148 = arith.constant 640 : i32
      %dma_wait3A_149 = arith.constant 0 : i32
      %dma_wait3A_150 = tpu.memref_slice %arg6[%dma_wait3A_148, %dma_wait3A_149] : memref<1024x64xf32, #tpu.memory_space<vmem>> -> memref<128x64xf32, #tpu.memory_space<vmem>>
      %dma_wait3A_151 = arith.constant 0 : i32
      %dma_wait3A_152 = tpu.memref_slice %arg5[%dma_wait3A_147, %dma_wait3A_151] : memref<8x128xi32, #tpu.memory_space<vmem>> -> memref<1x128xi32, #tpu.memory_space<vmem>>
      %dma_wait3A_153 = tpu.memref_squeeze %dma_wait3A_152 : memref<1x128xi32, #tpu.memory_space<vmem>> -> memref<128xi32, #tpu.memory_space<vmem>>
      %dma_wait3A_154 = arith.constant 0 : i32
      %dma_wait3A_155 = arith.constant 0 : i32
      %dma_wait3A_156 = tpu.memref_slice %arg2[%dma_wait3A_154, %dma_wait3A_155] : memref<16384x64xf32, #tpu.memory_space<hbm>> -> memref<16384x64xf32, #tpu.memory_space<hbm>>
      tpu.wait_indirect_dma semaphore(%arg7 : memref<!tpu.dma_semaphore, #tpu.memory_space<semaphore_mem>>) src(%dma_wait3A_156 : memref<16384x64xf32, #tpu.memory_space<hbm>>) dst(%dma_wait3A_150 : memref<128x64xf32, #tpu.memory_space<vmem>>)
      %dma_wait3A_157 = arith.constant 6 : i32
      %dma_wait3A_158 = arith.constant 768 : i32
      %dma_wait3A_159 = arith.constant 0 : i32
      %dma_wait3A_160 = tpu.memref_slice %arg6[%dma_wait3A_158, %dma_wait3A_159] : memref<1024x64xf32, #tpu.memory_space<vmem>> -> memref<128x64xf32, #tpu.memory_space<vmem>>
      %dma_wait3A_161 = arith.constant 0 : i32
      %dma_wait3A_162 = tpu.memref_slice %arg5[%dma_wait3A_157, %dma_wait3A_161] : memref<8x128xi32, #tpu.memory_space<vmem>> -> memref<1x128xi32, #tpu.memory_space<vmem>>
      %dma_wait3A_163 = tpu.memref_squeeze %dma_wait3A_162 : memref<1x128xi32, #tpu.memory_space<vmem>> -> memref<128xi32, #tpu.memory_space<vmem>>
      %dma_wait3A_164 = arith.constant 0 : i32
      %dma_wait3A_165 = arith.constant 0 : i32
      %dma_wait3A_166 = tpu.memref_slice %arg2[%dma_wait3A_164, %dma_wait3A_165] : memref<16384x64xf32, #tpu.memory_space<hbm>> -> memref<16384x64xf32, #tpu.memory_space<hbm>>
      tpu.wait_indirect_dma semaphore(%arg7 : memref<!tpu.dma_semaphore, #tpu.memory_space<semaphore_mem>>) src(%dma_wait3A_166 : memref<16384x64xf32, #tpu.memory_space<hbm>>) dst(%dma_wait3A_160 : memref<128x64xf32, #tpu.memory_space<vmem>>)
      %dma_wait3A_167 = arith.constant 7 : i32
      %dma_wait3A_168 = arith.constant 896 : i32
      %dma_wait3A_169 = arith.constant 0 : i32
      %dma_wait3A_170 = tpu.memref_slice %arg6[%dma_wait3A_168, %dma_wait3A_169] : memref<1024x64xf32, #tpu.memory_space<vmem>> -> memref<128x64xf32, #tpu.memory_space<vmem>>
      %dma_wait3A_171 = arith.constant 0 : i32
      %dma_wait3A_172 = tpu.memref_slice %arg5[%dma_wait3A_167, %dma_wait3A_171] : memref<8x128xi32, #tpu.memory_space<vmem>> -> memref<1x128xi32, #tpu.memory_space<vmem>>
      %dma_wait3A_173 = tpu.memref_squeeze %dma_wait3A_172 : memref<1x128xi32, #tpu.memory_space<vmem>> -> memref<128xi32, #tpu.memory_space<vmem>>
      %dma_wait3A_174 = arith.constant 0 : i32
      %dma_wait3A_175 = arith.constant 0 : i32
      %dma_wait3A_176 = tpu.memref_slice %arg2[%dma_wait3A_174, %dma_wait3A_175] : memref<16384x64xf32, #tpu.memory_space<hbm>> -> memref<16384x64xf32, #tpu.memory_space<hbm>>
      tpu.wait_indirect_dma semaphore(%arg7 : memref<!tpu.dma_semaphore, #tpu.memory_space<semaphore_mem>>) src(%dma_wait3A_176 : memref<16384x64xf32, #tpu.memory_space<hbm>>) dst(%dma_wait3A_170 : memref<128x64xf32, #tpu.memory_space<vmem>>)
      "tpu.region"() ({
        %run_scoped3A = tpu.sem_alloc : memref<!tpu.dma_semaphore, #tpu.memory_space<semaphore_mem>>
        %dma_start3A_177 = arith.constant 0 : i32
        %dma_start3A_178 = arith.constant 0 : i32
        %dma_start3A_179 = tpu.memref_slice %arg6[%dma_start3A_177, %dma_start3A_178] : memref<1024x64xf32, #tpu.memory_space<vmem>> -> memref<512x64xf32, #tpu.memory_space<vmem>>
        %dma_start3A_180 = arith.constant 0 : i32
        %dma_start3A_181 = arith.constant 0 : i32
        %dma_start3A_182 = tpu.memref_slice %arg4[%add3A_13, %dma_start3A_180, %dma_start3A_181] : memref<80x512x128xf32, #tpu.memory_space<hbm>> -> memref<1x512x64xf32, #tpu.memory_space<hbm>>
        %dma_start3A_183 = tpu.memref_squeeze %dma_start3A_182 : memref<1x512x64xf32, #tpu.memory_space<hbm>> -> memref<512x64xf32, #tpu.memory_space<hbm>>
        %dma_start3A_184 = arith.constant 0 : i32
        %dma_start3A_185 = arith.constant 0 : i32
        %dma_start3A_186 = tpu.memref_slice %arg4[%add3A_13, %dma_start3A_184, %dma_start3A_185] : memref<80x512x128xf32, #tpu.memory_space<hbm>> -> memref<1x512x64xf32, #tpu.memory_space<hbm>>
        %dma_start3A_187 = tpu.memref_squeeze %dma_start3A_186 : memref<1x512x64xf32, #tpu.memory_space<hbm>> -> memref<512x64xf32, #tpu.memory_space<hbm>>
        %dma_start3A_188 = arith.constant 0 : i32
        %dma_start3A_189 = arith.constant 0 : i32
        %dma_start3A_190 = tpu.memref_slice %arg6[%dma_start3A_188, %dma_start3A_189] : memref<1024x64xf32, #tpu.memory_space<vmem>> -> memref<512x64xf32, #tpu.memory_space<vmem>>
        tpu.enqueue_dma source(%dma_start3A_190 : memref<512x64xf32, #tpu.memory_space<vmem>>) target(%dma_start3A_187 : memref<512x64xf32, #tpu.memory_space<hbm>>) target_semaphore(%run_scoped3A : memref<!tpu.dma_semaphore, #tpu.memory_space<semaphore_mem>>)
        %dma_wait3A_191 = arith.constant 0 : i32
        %dma_wait3A_192 = arith.constant 0 : i32
        %dma_wait3A_193 = tpu.memref_slice %arg6[%dma_wait3A_191, %dma_wait3A_192] : memref<1024x64xf32, #tpu.memory_space<vmem>> -> memref<512x64xf32, #tpu.memory_space<vmem>>
        %dma_wait3A_194 = arith.constant 0 : i32
        %dma_wait3A_195 = arith.constant 0 : i32
        %dma_wait3A_196 = tpu.memref_slice %arg4[%add3A_13, %dma_wait3A_194, %dma_wait3A_195] : memref<80x512x128xf32, #tpu.memory_space<hbm>> -> memref<1x512x64xf32, #tpu.memory_space<hbm>>
        %dma_wait3A_197 = tpu.memref_squeeze %dma_wait3A_196 : memref<1x512x64xf32, #tpu.memory_space<hbm>> -> memref<512x64xf32, #tpu.memory_space<hbm>>
        %dma_wait3A_198 = arith.constant 0 : i32
        %dma_wait3A_199 = arith.constant 0 : i32
        %dma_wait3A_200 = tpu.memref_slice %arg4[%add3A_13, %dma_wait3A_198, %dma_wait3A_199] : memref<80x512x128xf32, #tpu.memory_space<hbm>> -> memref<1x512x64xf32, #tpu.memory_space<hbm>>
        %dma_wait3A_201 = tpu.memref_squeeze %dma_wait3A_200 : memref<1x512x64xf32, #tpu.memory_space<hbm>> -> memref<512x64xf32, #tpu.memory_space<hbm>>
        %dma_wait3A_202 = arith.constant 0 : i32
        %dma_wait3A_203 = arith.constant 0 : i32
        %dma_wait3A_204 = tpu.memref_slice %arg6[%dma_wait3A_202, %dma_wait3A_203] : memref<1024x64xf32, #tpu.memory_space<vmem>> -> memref<512x64xf32, #tpu.memory_space<vmem>>
        tpu.wait_dma2 semaphore(%run_scoped3A : memref<!tpu.dma_semaphore, #tpu.memory_space<semaphore_mem>>) src(%dma_wait3A_204 : memref<512x64xf32, #tpu.memory_space<vmem>>) dst(%dma_wait3A_201 : memref<512x64xf32, #tpu.memory_space<hbm>>)
        tpu.yield
      }) : () -> ()
      "tpu.region"() ({
        %run_scoped3A = tpu.sem_alloc : memref<!tpu.dma_semaphore, #tpu.memory_space<semaphore_mem>>
        %dma_start3A_177 = arith.constant 512 : i32
        %dma_start3A_178 = arith.constant 0 : i32
        %dma_start3A_179 = tpu.memref_slice %arg6[%dma_start3A_177, %dma_start3A_178] : memref<1024x64xf32, #tpu.memory_space<vmem>> -> memref<512x64xf32, #tpu.memory_space<vmem>>
        %dma_start3A_180 = arith.constant 0 : i32
        %dma_start3A_181 = arith.constant 64 : i32
        %dma_start3A_182 = tpu.memref_slice %arg4[%add3A_13, %dma_start3A_180, %dma_start3A_181] : memref<80x512x128xf32, #tpu.memory_space<hbm>> -> memref<1x512x64xf32, #tpu.memory_space<hbm>>
        %dma_start3A_183 = tpu.memref_squeeze %dma_start3A_182 : memref<1x512x64xf32, #tpu.memory_space<hbm>> -> memref<512x64xf32, #tpu.memory_space<hbm>>
        %dma_start3A_184 = arith.constant 0 : i32
        %dma_start3A_185 = arith.constant 64 : i32
        %dma_start3A_186 = tpu.memref_slice %arg4[%add3A_13, %dma_start3A_184, %dma_start3A_185] : memref<80x512x128xf32, #tpu.memory_space<hbm>> -> memref<1x512x64xf32, #tpu.memory_space<hbm>>
        %dma_start3A_187 = tpu.memref_squeeze %dma_start3A_186 : memref<1x512x64xf32, #tpu.memory_space<hbm>> -> memref<512x64xf32, #tpu.memory_space<hbm>>
        %dma_start3A_188 = arith.constant 512 : i32
        %dma_start3A_189 = arith.constant 0 : i32
        %dma_start3A_190 = tpu.memref_slice %arg6[%dma_start3A_188, %dma_start3A_189] : memref<1024x64xf32, #tpu.memory_space<vmem>> -> memref<512x64xf32, #tpu.memory_space<vmem>>
        tpu.enqueue_dma source(%dma_start3A_190 : memref<512x64xf32, #tpu.memory_space<vmem>>) target(%dma_start3A_187 : memref<512x64xf32, #tpu.memory_space<hbm>>) target_semaphore(%run_scoped3A : memref<!tpu.dma_semaphore, #tpu.memory_space<semaphore_mem>>)
        %dma_wait3A_191 = arith.constant 512 : i32
        %dma_wait3A_192 = arith.constant 0 : i32
        %dma_wait3A_193 = tpu.memref_slice %arg6[%dma_wait3A_191, %dma_wait3A_192] : memref<1024x64xf32, #tpu.memory_space<vmem>> -> memref<512x64xf32, #tpu.memory_space<vmem>>
        %dma_wait3A_194 = arith.constant 0 : i32
        %dma_wait3A_195 = arith.constant 64 : i32
        %dma_wait3A_196 = tpu.memref_slice %arg4[%add3A_13, %dma_wait3A_194, %dma_wait3A_195] : memref<80x512x128xf32, #tpu.memory_space<hbm>> -> memref<1x512x64xf32, #tpu.memory_space<hbm>>
        %dma_wait3A_197 = tpu.memref_squeeze %dma_wait3A_196 : memref<1x512x64xf32, #tpu.memory_space<hbm>> -> memref<512x64xf32, #tpu.memory_space<hbm>>
        %dma_wait3A_198 = arith.constant 0 : i32
        %dma_wait3A_199 = arith.constant 64 : i32
        %dma_wait3A_200 = tpu.memref_slice %arg4[%add3A_13, %dma_wait3A_198, %dma_wait3A_199] : memref<80x512x128xf32, #tpu.memory_space<hbm>> -> memref<1x512x64xf32, #tpu.memory_space<hbm>>
        %dma_wait3A_201 = tpu.memref_squeeze %dma_wait3A_200 : memref<1x512x64xf32, #tpu.memory_space<hbm>> -> memref<512x64xf32, #tpu.memory_space<hbm>>
        %dma_wait3A_202 = arith.constant 512 : i32
        %dma_wait3A_203 = arith.constant 0 : i32
        %dma_wait3A_204 = tpu.memref_slice %arg6[%dma_wait3A_202, %dma_wait3A_203] : memref<1024x64xf32, #tpu.memory_space<vmem>> -> memref<512x64xf32, #tpu.memory_space<vmem>>
        tpu.wait_dma2 semaphore(%run_scoped3A : memref<!tpu.dma_semaphore, #tpu.memory_space<semaphore_mem>>) src(%dma_wait3A_204 : memref<512x64xf32, #tpu.memory_space<vmem>>) dst(%dma_wait3A_201 : memref<512x64xf32, #tpu.memory_space<hbm>>)
        tpu.yield
      }) : () -> ()
    } else {
    }
    return
  }
}

module attributes {stable_mosaic.version = 14 : i64} {
  func.func @_topk_feat_body(%arg0: i32, %arg1: i32, %arg2: memref<1x3x1024xf32, #tpu.memory_space<vmem>>, %arg3: memref<1x3x128xf32, #tpu.memory_space<vmem>>, %arg4: memref<64x6xf32, #tpu.memory_space<vmem>>, %arg5: memref<1x5x128xi32, #tpu.memory_space<vmem>>, %arg6: memref<1x128x64xf32, #tpu.memory_space<vmem>>, %arg7: memref<1x128x64xf32, #tpu.memory_space<vmem>>) attributes {dimension_semantics = [#tpu.dimension_semantics<arbitrary>, #tpu.dimension_semantics<arbitrary>], iteration_bounds = array<i64: 16, 8>, scalar_prefetch = 0 : i64, scratch_operands = 0 : i64, tpu.core_type = #tpu.core_type<tc>, window_params = [{transform_indices = @transform_0, window_bounds = array<i64: 1, 3, 1024>}, {transform_indices = @transform_1, window_bounds = array<i64: 1, 3, 128>}, {pipeline_mode = #tpu.pipeline_mode<synchronous>, transform_indices = @transform_2, window_bounds = array<i64: 64, 6>}, {transform_indices = @transform_3, window_bounds = array<i64: 1, 5, 128>}, {transform_indices = @transform_4, window_bounds = array<i64: 1, 128, 64>}, {transform_indices = @transform_5, window_bounds = array<i64: 1, 128, 64>}]} {
    %get3A = arith.constant 0 : index
    %get3A_0 = arith.constant 0 : index
    %get3A_1 = arith.constant 0 : index
    %get3A_2 = vector.load %arg2[%get3A, %get3A_0, %get3A_1] : memref<1x3x1024xf32, #tpu.memory_space<vmem>>, vector<1x3x1024xf32>
    %get3A_3 = vector.shape_cast %get3A_2 : vector<1x3x1024xf32> to vector<3x1024xf32>
    %get3A_4 = arith.constant 0 : index
    %get3A_5 = arith.constant 0 : index
    %get3A_6 = arith.constant 0 : index
    %get3A_7 = vector.load %arg3[%get3A_4, %get3A_5, %get3A_6] : memref<1x3x128xf32, #tpu.memory_space<vmem>>, vector<1x3x128xf32>
    %get3A_8 = vector.shape_cast %get3A_7 : vector<1x3x128xf32> to vector<3x128xf32>
    %dot_general3A = arith.constant dense<0.000000e+00> : vector<128x1024xf32>
    %dot_general3A_9 = tpu.matmul %get3A_8, %get3A_3, %dot_general3A {dimension_numbers = #tpu.dot_dimension_numbers<[0], [0], [1], [1], [0, 1, 1, 1], [], []>, transpose_lhs_hint = false} : vector<3x128xf32>, vector<3x1024xf32>, vector<128x1024xf32> -> vector<128x1024xf32>
    %mul3A = arith.mulf %get3A_3, %get3A_3 : vector<3x1024xf32>
    %reduce_sum3A = arith.constant dense<0.000000e+00> : vector<1024xf32>
    %reduce_sum3A_10 = vector.multi_reduction <add>, %mul3A, %reduce_sum3A [0] : vector<3x1024xf32> to vector<1024xf32>
    %broadcast_in_dim3A = vector.shape_cast %reduce_sum3A_10 : vector<1024xf32> to vector<1x1024xf32>
    %mul3A_11 = arith.mulf %get3A_8, %get3A_8 : vector<3x128xf32>
    %reduce_sum3A_12 = arith.constant dense<0.000000e+00> : vector<128xf32>
    %reduce_sum3A_13 = vector.multi_reduction <add>, %mul3A_11, %reduce_sum3A_12 [0] : vector<3x128xf32> to vector<128xf32>
    %broadcast_in_dim3A_14 = vector.shape_cast %reduce_sum3A_13 : vector<128xf32> to vector<1x128xf32>
    %transpose3A = tpu.transpose %broadcast_in_dim3A_14, [1, 0] : vector<1x128xf32> -> vector<128x1xf32>
    %mul3A_15 = arith.constant -2.000000e+00 : f32
    %mul3A_16 = vector.broadcast %mul3A_15 : f32 to vector<128x1024xf32>
    %mul3A_17 = arith.mulf %mul3A_16, %dot_general3A_9 : vector<128x1024xf32>
    %neg3A = arith.constant 0.000000e+00 : f32
    %neg3A_18 = vector.broadcast %neg3A : f32 to vector<128x1xf32>
    %neg3A_19 = arith.subf %neg3A_18, %transpose3A : vector<128x1xf32>
    %sub3A = vector.broadcast %neg3A_19 : vector<128x1xf32> to vector<128x1024xf32>
    %sub3A_20 = arith.subf %sub3A, %mul3A_17 : vector<128x1024xf32>
    %sub3A_21 = vector.broadcast %broadcast_in_dim3A : vector<1x1024xf32> to vector<128x1024xf32>
    %sub3A_22 = arith.subf %sub3A_20, %sub3A_21 : vector<128x1024xf32>
    %iota3A = tpu.iota {dimensions = array<i32: 1>} : vector<128x1024xi32>
    %convert_element_type3A = arith.sitofp %iota3A : vector<128x1024xi32> to vector<128x1024xf32>
    %mul3A_23 = arith.constant 1024 : i32
    %mul3A_24 = arith.muli %arg0, %mul3A_23 : i32
    %iota3A_25 = tpu.iota {dimensions = array<i32: 0>} : vector<128x1xi32>
    %mul3A_26 = arith.constant 128 : i32
    %mul3A_27 = arith.muli %arg1, %mul3A_26 : i32
    %add3A = vector.broadcast %mul3A_27 : i32 to vector<128x1xi32>
    %add3A_28 = arith.addi %iota3A_25, %add3A : vector<128x1xi32>
    %eq3A = vector.broadcast %add3A_28 : vector<128x1xi32> to vector<128x1024xi32>
    %eq3A_29 = arith.cmpi eq, %iota3A, %eq3A : vector<128x1024xi32>
    %iota3A_30 = tpu.iota {dimensions = array<i32: 1>} : vector<1x128xi32>
    %squeeze3A = vector.shape_cast %iota3A_30 : vector<1x128xi32> to vector<128xi32>
    %mul3A_31 = arith.constant 128 : i32
    %mul3A_32 = arith.muli %arg1, %mul3A_31 : i32
    %add3A_33 = arith.addi %mul3A_24, %mul3A_32 : i32
    %add3A_34 = vector.broadcast %add3A_33 : i32 to vector<128xi32>
    %add3A_35 = arith.addi %squeeze3A, %add3A_34 : vector<128xi32>
    %swap3A = arith.constant 0 : index
    %swap3A_36 = arith.constant 0 : index
    %swap3A_37 = arith.constant 0 : index
    %swap3A_38 = vector.load %arg5[%swap3A, %swap3A_36, %swap3A_37] : memref<1x5x128xi32, #tpu.memory_space<vmem>>, vector<1x1x128xi32>
    %swap3A_39 = vector.shape_cast %swap3A_38 : vector<1x1x128xi32> to vector<128xi32>
    %swap3A_40 = vector.shape_cast %add3A_35 : vector<128xi32> to vector<1x1x128xi32>
    tpu.vector_store %arg5[%swap3A, %swap3A_36, %swap3A_37], %swap3A_40 {strides = array<i32>} : memref<1x5x128xi32, #tpu.memory_space<vmem>>, vector<1x1x128xi32>,
    %jit3A = arith.constant 0xFF800000 : f32
    %broadcast_in_dim3A_41 = vector.broadcast %jit3A : f32 to vector<128x1024xf32>
    %select_n3A = arith.select %eq3A_29, %broadcast_in_dim3A_41, %sub3A_22 : vector<128x1024xi1>, vector<128x1024xf32>
    %reduce_max3A = arith.constant dense<0xFF800000> : vector<128xf32>
    %reduce_max3A_42 = vector.multi_reduction <maximumf>, %select_n3A, %reduce_max3A [1] : vector<128x1024xf32> to vector<128xf32>
    %broadcast_in_dim3A_43 = vector.shape_cast %reduce_max3A_42 : vector<128xf32> to vector<128x1xf32>
    %eq3A_44 = vector.broadcast %broadcast_in_dim3A_43 : vector<128x1xf32> to vector<128x1024xf32>
    %eq3A_45 = arith.cmpf oeq, %select_n3A, %eq3A_44 : vector<128x1024xf32>
    %jit3A_46 = arith.constant 1.024000e+03 : f32
    %broadcast_in_dim3A_47 = vector.broadcast %jit3A_46 : f32 to vector<128x1024xf32>
    %select_n3A_48 = arith.select %eq3A_45, %convert_element_type3A, %broadcast_in_dim3A_47 : vector<128x1024xi1>, vector<128x1024xf32>
    %reduce_min3A = arith.constant dense<0x7F800000> : vector<128xf32>
    %reduce_min3A_49 = vector.multi_reduction <minimumf>, %select_n3A_48, %reduce_min3A [1] : vector<128x1024xf32> to vector<128xf32>
    %convert_element_type3A_50 = arith.fptosi %reduce_min3A_49 : vector<128xf32> to vector<128xi32>
    %add3A_51 = vector.broadcast %mul3A_24 : i32 to vector<128xi32>
    %add3A_52 = arith.addi %convert_element_type3A_50, %add3A_51 : vector<128xi32>
    %swap3A_53 = arith.constant 0 : index
    %swap3A_54 = arith.constant 1 : index
    %swap3A_55 = arith.constant 0 : index
    %swap3A_56 = vector.load %arg5[%swap3A_53, %swap3A_54, %swap3A_55] : memref<1x5x128xi32, #tpu.memory_space<vmem>>, vector<1x1x128xi32>
    %swap3A_57 = vector.shape_cast %swap3A_56 : vector<1x1x128xi32> to vector<128xi32>
    %swap3A_58 = vector.shape_cast %add3A_52 : vector<128xi32> to vector<1x1x128xi32>
    tpu.vector_store %arg5[%swap3A_53, %swap3A_54, %swap3A_55], %swap3A_58 {strides = array<i32>} : memref<1x5x128xi32, #tpu.memory_space<vmem>>, vector<1x1x128xi32>,
    %broadcast_in_dim3A_59 = vector.shape_cast %reduce_min3A_49 : vector<128xf32> to vector<128x1xf32>
    %eq3A_60 = vector.broadcast %broadcast_in_dim3A_59 : vector<128x1xf32> to vector<128x1024xf32>
    %eq3A_61 = arith.cmpf oeq, %convert_element_type3A, %eq3A_60 : vector<128x1024xf32>
    %jit3A_62 = arith.constant 0xFF800000 : f32
    %broadcast_in_dim3A_63 = vector.broadcast %jit3A_62 : f32 to vector<128x1024xf32>
    %select_n3A_64 = arith.select %eq3A_61, %broadcast_in_dim3A_63, %select_n3A : vector<128x1024xi1>, vector<128x1024xf32>
    %reduce_max3A_65 = arith.constant dense<0xFF800000> : vector<128xf32>
    %reduce_max3A_66 = vector.multi_reduction <maximumf>, %select_n3A_64, %reduce_max3A_65 [1] : vector<128x1024xf32> to vector<128xf32>
    %broadcast_in_dim3A_67 = vector.shape_cast %reduce_max3A_66 : vector<128xf32> to vector<128x1xf32>
    %eq3A_68 = vector.broadcast %broadcast_in_dim3A_67 : vector<128x1xf32> to vector<128x1024xf32>
    %eq3A_69 = arith.cmpf oeq, %select_n3A_64, %eq3A_68 : vector<128x1024xf32>
    %jit3A_70 = arith.constant 1.024000e+03 : f32
    %broadcast_in_dim3A_71 = vector.broadcast %jit3A_70 : f32 to vector<128x1024xf32>
    %select_n3A_72 = arith.select %eq3A_69, %convert_element_type3A, %broadcast_in_dim3A_71 : vector<128x1024xi1>, vector<128x1024xf32>
    %reduce_min3A_73 = arith.constant dense<0x7F800000> : vector<128xf32>
    %reduce_min3A_74 = vector.multi_reduction <minimumf>, %select_n3A_72, %reduce_min3A_73 [1] : vector<128x1024xf32> to vector<128xf32>
    %convert_element_type3A_75 = arith.fptosi %reduce_min3A_74 : vector<128xf32> to vector<128xi32>
    %add3A_76 = vector.broadcast %mul3A_24 : i32 to vector<128xi32>
    %add3A_77 = arith.addi %convert_element_type3A_75, %add3A_76 : vector<128xi32>
    %swap3A_78 = arith.constant 0 : index
    %swap3A_79 = arith.constant 2 : index
    %swap3A_80 = arith.constant 0 : index
    %swap3A_81 = vector.load %arg5[%swap3A_78, %swap3A_79, %swap3A_80] : memref<1x5x128xi32, #tpu.memory_space<vmem>>, vector<1x1x128xi32>
    %swap3A_82 = vector.shape_cast %swap3A_81 : vector<1x1x128xi32> to vector<128xi32>
    %swap3A_83 = vector.shape_cast %add3A_77 : vector<128xi32> to vector<1x1x128xi32>
    tpu.vector_store %arg5[%swap3A_78, %swap3A_79, %swap3A_80], %swap3A_83 {strides = array<i32>} : memref<1x5x128xi32, #tpu.memory_space<vmem>>, vector<1x1x128xi32>,
    %broadcast_in_dim3A_84 = vector.shape_cast %reduce_min3A_74 : vector<128xf32> to vector<128x1xf32>
    %eq3A_85 = vector.broadcast %broadcast_in_dim3A_84 : vector<128x1xf32> to vector<128x1024xf32>
    %eq3A_86 = arith.cmpf oeq, %convert_element_type3A, %eq3A_85 : vector<128x1024xf32>
    %jit3A_87 = arith.constant 0xFF800000 : f32
    %broadcast_in_dim3A_88 = vector.broadcast %jit3A_87 : f32 to vector<128x1024xf32>
    %select_n3A_89 = arith.select %eq3A_86, %broadcast_in_dim3A_88, %select_n3A_64 : vector<128x1024xi1>, vector<128x1024xf32>
    %reduce_max3A_90 = arith.constant dense<0xFF800000> : vector<128xf32>
    %reduce_max3A_91 = vector.multi_reduction <maximumf>, %select_n3A_89, %reduce_max3A_90 [1] : vector<128x1024xf32> to vector<128xf32>
    %broadcast_in_dim3A_92 = vector.shape_cast %reduce_max3A_91 : vector<128xf32> to vector<128x1xf32>
    %eq3A_93 = vector.broadcast %broadcast_in_dim3A_92 : vector<128x1xf32> to vector<128x1024xf32>
    %eq3A_94 = arith.cmpf oeq, %select_n3A_89, %eq3A_93 : vector<128x1024xf32>
    %jit3A_95 = arith.constant 1.024000e+03 : f32
    %broadcast_in_dim3A_96 = vector.broadcast %jit3A_95 : f32 to vector<128x1024xf32>
    %select_n3A_97 = arith.select %eq3A_94, %convert_element_type3A, %broadcast_in_dim3A_96 : vector<128x1024xi1>, vector<128x1024xf32>
    %reduce_min3A_98 = arith.constant dense<0x7F800000> : vector<128xf32>
    %reduce_min3A_99 = vector.multi_reduction <minimumf>, %select_n3A_97, %reduce_min3A_98 [1] : vector<128x1024xf32> to vector<128xf32>
    %convert_element_type3A_100 = arith.fptosi %reduce_min3A_99 : vector<128xf32> to vector<128xi32>
    %add3A_101 = vector.broadcast %mul3A_24 : i32 to vector<128xi32>
    %add3A_102 = arith.addi %convert_element_type3A_100, %add3A_101 : vector<128xi32>
    %swap3A_103 = arith.constant 0 : index
    %swap3A_104 = arith.constant 3 : index
    %swap3A_105 = arith.constant 0 : index
    %swap3A_106 = vector.load %arg5[%swap3A_103, %swap3A_104, %swap3A_105] : memref<1x5x128xi32, #tpu.memory_space<vmem>>, vector<1x1x128xi32>
    %swap3A_107 = vector.shape_cast %swap3A_106 : vector<1x1x128xi32> to vector<128xi32>
    %swap3A_108 = vector.shape_cast %add3A_102 : vector<128xi32> to vector<1x1x128xi32>
    tpu.vector_store %arg5[%swap3A_103, %swap3A_104, %swap3A_105], %swap3A_108 {strides = array<i32>} : memref<1x5x128xi32, #tpu.memory_space<vmem>>, vector<1x1x128xi32>,
    %broadcast_in_dim3A_109 = vector.shape_cast %reduce_min3A_99 : vector<128xf32> to vector<128x1xf32>
    %eq3A_110 = vector.broadcast %broadcast_in_dim3A_109 : vector<128x1xf32> to vector<128x1024xf32>
    %eq3A_111 = arith.cmpf oeq, %convert_element_type3A, %eq3A_110 : vector<128x1024xf32>
    %jit3A_112 = arith.constant 0xFF800000 : f32
    %broadcast_in_dim3A_113 = vector.broadcast %jit3A_112 : f32 to vector<128x1024xf32>
    %select_n3A_114 = arith.select %eq3A_111, %broadcast_in_dim3A_113, %select_n3A_89 : vector<128x1024xi1>, vector<128x1024xf32>
    %reduce_max3A_115 = arith.constant dense<0xFF800000> : vector<128xf32>
    %reduce_max3A_116 = vector.multi_reduction <maximumf>, %select_n3A_114, %reduce_max3A_115 [1] : vector<128x1024xf32> to vector<128xf32>
    %broadcast_in_dim3A_117 = vector.shape_cast %reduce_max3A_116 : vector<128xf32> to vector<128x1xf32>
    %eq3A_118 = vector.broadcast %broadcast_in_dim3A_117 : vector<128x1xf32> to vector<128x1024xf32>
    %eq3A_119 = arith.cmpf oeq, %select_n3A_114, %eq3A_118 : vector<128x1024xf32>
    %jit3A_120 = arith.constant 1.024000e+03 : f32
    %broadcast_in_dim3A_121 = vector.broadcast %jit3A_120 : f32 to vector<128x1024xf32>
    %select_n3A_122 = arith.select %eq3A_119, %convert_element_type3A, %broadcast_in_dim3A_121 : vector<128x1024xi1>, vector<128x1024xf32>
    %reduce_min3A_123 = arith.constant dense<0x7F800000> : vector<128xf32>
    %reduce_min3A_124 = vector.multi_reduction <minimumf>, %select_n3A_122, %reduce_min3A_123 [1] : vector<128x1024xf32> to vector<128xf32>
    %convert_element_type3A_125 = arith.fptosi %reduce_min3A_124 : vector<128xf32> to vector<128xi32>
    %add3A_126 = vector.broadcast %mul3A_24 : i32 to vector<128xi32>
    %add3A_127 = arith.addi %convert_element_type3A_125, %add3A_126 : vector<128xi32>
    %swap3A_128 = arith.constant 0 : index
    %swap3A_129 = arith.constant 4 : index
    %swap3A_130 = arith.constant 0 : index
    %swap3A_131 = vector.load %arg5[%swap3A_128, %swap3A_129, %swap3A_130] : memref<1x5x128xi32, #tpu.memory_space<vmem>>, vector<1x1x128xi32>
    %swap3A_132 = vector.shape_cast %swap3A_131 : vector<1x1x128xi32> to vector<128xi32>
    %swap3A_133 = vector.shape_cast %add3A_127 : vector<128xi32> to vector<1x1x128xi32>
    tpu.vector_store %arg5[%swap3A_128, %swap3A_129, %swap3A_130], %swap3A_133 {strides = array<i32>} : memref<1x5x128xi32, #tpu.memory_space<vmem>>, vector<1x1x128xi32>,
    %get3A_134 = arith.constant 0 : index
    %get3A_135 = arith.constant 0 : index
    %get3A_136 = vector.load %arg4[%get3A_134, %get3A_135] : memref<64x6xf32, #tpu.memory_space<vmem>>, vector<64x6xf32>
    %slice3A = vector.extract_strided_slice %get3A_136 {offsets = [0, 0], sizes = [64, 3], strides = [1, 1]} : vector<64x6xf32> to vector<64x3xf32>
    %dot_general3A_137 = arith.constant dense<0.000000e+00> : vector<128x64xf32>
    %dot_general3A_138 = tpu.matmul %get3A_8, %slice3A, %dot_general3A_137 {dimension_numbers = #tpu.dot_dimension_numbers<[0], [1], [1], [0], [0, 1, 1, 0], [], []>, transpose_lhs_hint = false} : vector<3x128xf32>, vector<64x3xf32>, vector<128x64xf32> -> vector<128x64xf32>
    %swap3A_139 = arith.constant 0 : index
    %swap3A_140 = arith.constant 0 : index
    %swap3A_141 = arith.constant 0 : index
    %swap3A_142 = vector.load %arg6[%swap3A_139, %swap3A_140, %swap3A_141] : memref<1x128x64xf32, #tpu.memory_space<vmem>>, vector<1x128x64xf32>
    %swap3A_143 = vector.shape_cast %swap3A_142 : vector<1x128x64xf32> to vector<128x64xf32>
    %swap3A_144 = vector.shape_cast %dot_general3A_138 : vector<128x64xf32> to vector<1x128x64xf32>
    tpu.vector_store %arg6[%swap3A_139, %swap3A_140, %swap3A_141], %swap3A_144 {strides = array<i32>} : memref<1x128x64xf32, #tpu.memory_space<vmem>>, vector<1x128x64xf32>,
    %slice3A_145 = vector.extract_strided_slice %get3A_136 {offsets = [0, 3], sizes = [64, 3], strides = [1, 1]} : vector<64x6xf32> to vector<64x3xf32>
    %dot_general3A_146 = arith.constant dense<0.000000e+00> : vector<128x64xf32>
    %dot_general3A_147 = tpu.matmul %get3A_8, %slice3A_145, %dot_general3A_146 {dimension_numbers = #tpu.dot_dimension_numbers<[0], [1], [1], [0], [0, 1, 1, 0], [], []>, transpose_lhs_hint = false} : vector<3x128xf32>, vector<64x3xf32>, vector<128x64xf32> -> vector<128x64xf32>
    %swap3A_148 = arith.constant 0 : index
    %swap3A_149 = arith.constant 0 : index
    %swap3A_150 = arith.constant 0 : index
    %swap3A_151 = vector.load %arg7[%swap3A_148, %swap3A_149, %swap3A_150] : memref<1x128x64xf32, #tpu.memory_space<vmem>>, vector<1x128x64xf32>
    %swap3A_152 = vector.shape_cast %swap3A_151 : vector<1x128x64xf32> to vector<128x64xf32>
    %swap3A_153 = vector.shape_cast %dot_general3A_147 : vector<128x64xf32> to vector<1x128x64xf32>
    tpu.vector_store %arg7[%swap3A_148, %swap3A_149, %swap3A_150], %swap3A_153 {strides = array<i32>} : memref<1x128x64xf32, #tpu.memory_space<vmem>>, vector<1x128x64xf32>,
    return
  }
  func.func @transform_0(%arg0: i32, %arg1: i32) -> (i32, i32, i32) {
    %c0_i32 = arith.constant 0 : i32
    %c0_i32_0 = arith.constant 0 : i32
    %c0_i32_1 = arith.constant 0 : i32
    return %arg0, %c0_i32, %c0_i32_0 : i32, i32, i32
  }
  func.func @transform_1(%arg0: i32, %arg1: i32) -> (i32, i32, i32) {
    %c0_i32 = arith.constant 0 : i32
    %c0_i32_0 = arith.constant 0 : i32
    return %arg0, %c0_i32, %arg1 : i32, i32, i32
  }
  func.func @transform_2(%arg0: i32, %arg1: i32) -> (i32, i32) {
    %c0_i32 = arith.constant 0 : i32
    %c0_i32_0 = arith.constant 0 : i32
    %c0_i32_1 = arith.constant 0 : i32
    return %c0_i32, %c0_i32_0 : i32, i32
  }
  func.func @transform_3(%arg0: i32, %arg1: i32) -> (i32, i32, i32) {
    %c0_i32 = arith.constant 0 : i32
    %c0_i32_0 = arith.constant 0 : i32
    return %arg0, %c0_i32, %arg1 : i32, i32, i32
  }
  func.func @transform_4(%arg0: i32, %arg1: i32) -> (i32, i32, i32) {
    %c0_i32 = arith.constant 0 : i32
    %c0_i32_0 = arith.constant 0 : i32
    return %arg0, %arg1, %c0_i32 : i32, i32, i32
  }
  func.func @transform_5(%arg0: i32, %arg1: i32) -> (i32, i32, i32) {
    %c0_i32 = arith.constant 0 : i32
    %c0_i32_0 = arith.constant 0 : i32
    return %arg0, %arg1, %c0_i32 : i32, i32, i32
  }
}

module attributes {stable_mosaic.version = 14 : i64} {
  func.func @_chain_body(%arg0: i32, %arg1: memref<2x5x512x128xf32, #tpu.memory_space<vmem>>, %arg2: memref<2x1024x64xf32, #tpu.memory_space<vmem>>, %arg3: memref<64x64xbf16, #tpu.memory_space<vmem>>, %arg4: memref<128x64xbf16, #tpu.memory_space<vmem>>, %arg5: memref<256x128xbf16, #tpu.memory_space<vmem>>, %arg6: memref<512x512xbf16, #tpu.memory_space<vmem>>, %arg7: memref<2x512x1024xf32, #tpu.memory_space<vmem>>) attributes {dimension_semantics = [#tpu.dimension_semantics<arbitrary>], iteration_bounds = array<i64: 8>, scalar_prefetch = 0 : i64, scratch_operands = 0 : i64, tpu.core_type = #tpu.core_type<tc>, window_params = [{transform_indices = @transform_0, window_bounds = array<i64: 2, 5, 512, 128>}, {transform_indices = @transform_1, window_bounds = array<i64: 2, 1024, 64>}, {pipeline_mode = #tpu.pipeline_mode<synchronous>, transform_indices = @transform_2, window_bounds = array<i64: 64, 64>}, {pipeline_mode = #tpu.pipeline_mode<synchronous>, transform_indices = @transform_3, window_bounds = array<i64: 128, 64>}, {pipeline_mode = #tpu.pipeline_mode<synchronous>, transform_indices = @transform_4, window_bounds = array<i64: 256, 128>}, {pipeline_mode = #tpu.pipeline_mode<synchronous>, transform_indices = @transform_5, window_bounds = array<i64: 512, 512>}, {transform_indices = @transform_6, window_bounds = array<i64: 2, 512, 1024>}]} {
    %get3A = arith.constant 0 : index
    %get3A_0 = arith.constant 0 : index
    %get3A_1 = arith.constant 0 : index
    %get3A_2 = vector.load %arg2[%get3A, %get3A_0, %get3A_1] : memref<2x1024x64xf32, #tpu.memory_space<vmem>>, vector<1x1024x64xf32>
    %get3A_3 = vector.shape_cast %get3A_2 : vector<1x1024x64xf32> to vector<1024x64xf32>
    %get3A_4 = arith.constant 1 : index
    %get3A_5 = arith.constant 0 : index
    %get3A_6 = arith.constant 0 : index
    %get3A_7 = vector.load %arg2[%get3A_4, %get3A_5, %get3A_6] : memref<2x1024x64xf32, #tpu.memory_space<vmem>>, vector<1x1024x64xf32>
    %get3A_8 = vector.shape_cast %get3A_7 : vector<1x1024x64xf32> to vector<1024x64xf32>
    %concatenate3A = tpu.concatenate %get3A_3, %get3A_8 in 0 : vector<1024x64xf32>, vector<1024x64xf32> -> vector<2048x64xf32>
    %get3A_9 = arith.constant 0 : index
    %get3A_10 = arith.constant 0 : index
    %get3A_11 = vector.load %arg3[%get3A_9, %get3A_10] : memref<64x64xbf16, #tpu.memory_space<vmem>>, vector<64x64xbf16>
    %get3A_12 = arith.constant 0 : index
    %get3A_13 = arith.constant 0 : index
    %get3A_14 = vector.load %arg4[%get3A_12, %get3A_13] : memref<128x64xbf16, #tpu.memory_space<vmem>>, vector<128x64xbf16>
    %get3A_15 = arith.constant 0 : index
    %get3A_16 = arith.constant 0 : index
    %get3A_17 = vector.load %arg5[%get3A_15, %get3A_16] : memref<256x128xbf16, #tpu.memory_space<vmem>>, vector<256x128xbf16>
    %get3A_18 = arith.constant 0 : index
    %get3A_19 = arith.constant 0 : index
    %get3A_20 = vector.load %arg6[%get3A_18, %get3A_19] : memref<512x512xbf16, #tpu.memory_space<vmem>>, vector<512x512xbf16>
    %get3A_21 = arith.constant 0 : index
    %get3A_22 = arith.constant 0 : index
    %get3A_23 = arith.constant 0 : index
    %get3A_24 = arith.constant 0 : index
    %get3A_25 = vector.load %arg1[%get3A_21, %get3A_22, %get3A_23, %get3A_24] : memref<2x5x512x128xf32, #tpu.memory_space<vmem>>, vector<1x1x512x128xf32>
    %get3A_26 = vector.shape_cast %get3A_25 : vector<1x1x512x128xf32> to vector<512x128xf32>
    %slice3A = vector.extract_strided_slice %get3A_26 {offsets = [0, 0], sizes = [512, 64], strides = [1, 1]} : vector<512x128xf32> to vector<512x64xf32>
    %get3A_27 = arith.constant 0 : index
    %get3A_28 = arith.constant 0 : index
    %get3A_29 = arith.constant 0 : index
    %get3A_30 = arith.constant 0 : index
    %get3A_31 = vector.load %arg1[%get3A_27, %get3A_28, %get3A_29, %get3A_30] : memref<2x5x512x128xf32, #tpu.memory_space<vmem>>, vector<1x1x512x128xf32>
    %get3A_32 = vector.shape_cast %get3A_31 : vector<1x1x512x128xf32> to vector<512x128xf32>
    %slice3A_33 = vector.extract_strided_slice %get3A_32 {offsets = [0, 64], sizes = [512, 64], strides = [1, 1]} : vector<512x128xf32> to vector<512x64xf32>
    %get3A_34 = arith.constant 1 : index
    %get3A_35 = arith.constant 0 : index
    %get3A_36 = arith.constant 0 : index
    %get3A_37 = arith.constant 0 : index
    %get3A_38 = vector.load %arg1[%get3A_34, %get3A_35, %get3A_36, %get3A_37] : memref<2x5x512x128xf32, #tpu.memory_space<vmem>>, vector<1x1x512x128xf32>
    %get3A_39 = vector.shape_cast %get3A_38 : vector<1x1x512x128xf32> to vector<512x128xf32>
    %slice3A_40 = vector.extract_strided_slice %get3A_39 {offsets = [0, 0], sizes = [512, 64], strides = [1, 1]} : vector<512x128xf32> to vector<512x64xf32>
    %get3A_41 = arith.constant 1 : index
    %get3A_42 = arith.constant 0 : index
    %get3A_43 = arith.constant 0 : index
    %get3A_44 = arith.constant 0 : index
    %get3A_45 = vector.load %arg1[%get3A_41, %get3A_42, %get3A_43, %get3A_44] : memref<2x5x512x128xf32, #tpu.memory_space<vmem>>, vector<1x1x512x128xf32>
    %get3A_46 = vector.shape_cast %get3A_45 : vector<1x1x512x128xf32> to vector<512x128xf32>
    %slice3A_47 = vector.extract_strided_slice %get3A_46 {offsets = [0, 64], sizes = [512, 64], strides = [1, 1]} : vector<512x128xf32> to vector<512x64xf32>
    %concatenate3A_48 = tpu.concatenate %slice3A, %slice3A_33, %slice3A_40, %slice3A_47 in 0 : vector<512x64xf32>, vector<512x64xf32>, vector<512x64xf32>, vector<512x64xf32> -> vector<2048x64xf32>
    %add3A = arith.addf %concatenate3A_48, %concatenate3A : vector<2048x64xf32>
    %max3A = arith.constant 0.000000e+00 : f32
    %max3A_49 = vector.broadcast %max3A : f32 to vector<2048x64xf32>
    %max3A_50 = arith.maximumf %add3A, %max3A_49 : vector<2048x64xf32>
    %convert_element_type3A = arith.truncf %max3A_50 : vector<2048x64xf32> to vector<2048x64xbf16>
    %dot_general3A = arith.constant dense<0.000000e+00> : vector<2048x64xf32>
    %dot_general3A_51 = tpu.matmul %convert_element_type3A, %get3A_11, %dot_general3A {dimension_numbers = #tpu.dot_dimension_numbers<[1], [1], [0], [0], [0, 0, 1, 0], [], []>, transpose_lhs_hint = false} : vector<2048x64xbf16>, vector<64x64xbf16>, vector<2048x64xf32> -> vector<2048x64xf32>
    %max3A_52 = arith.constant 0.000000e+00 : f32
    %max3A_53 = vector.broadcast %max3A_52 : f32 to vector<2048x64xf32>
    %max3A_54 = arith.maximumf %dot_general3A_51, %max3A_53 : vector<2048x64xf32>
    %convert_element_type3A_55 = arith.truncf %max3A_54 : vector<2048x64xf32> to vector<2048x64xbf16>
    %dot_general3A_56 = arith.constant dense<0.000000e+00> : vector<2048x128xf32>
    %dot_general3A_57 = tpu.matmul %convert_element_type3A_55, %get3A_14, %dot_general3A_56 {dimension_numbers = #tpu.dot_dimension_numbers<[1], [1], [0], [0], [0, 0, 1, 0], [], []>, transpose_lhs_hint = false} : vector<2048x64xbf16>, vector<128x64xbf16>, vector<2048x128xf32> -> vector<2048x128xf32>
    %max3A_58 = arith.constant 0.000000e+00 : f32
    %max3A_59 = vector.broadcast %max3A_58 : f32 to vector<2048x128xf32>
    %max3A_60 = arith.maximumf %dot_general3A_57, %max3A_59 : vector<2048x128xf32>
    %convert_element_type3A_61 = arith.truncf %max3A_60 : vector<2048x128xf32> to vector<2048x128xbf16>
    %dot_general3A_62 = arith.constant dense<0.000000e+00> : vector<2048x256xf32>
    %dot_general3A_63 = tpu.matmul %convert_element_type3A_61, %get3A_17, %dot_general3A_62 {dimension_numbers = #tpu.dot_dimension_numbers<[1], [1], [0], [0], [0, 0, 1, 0], [], []>, transpose_lhs_hint = false} : vector<2048x128xbf16>, vector<256x128xbf16>, vector<2048x256xf32> -> vector<2048x256xf32>
    %get3A_64 = arith.constant 0 : index
    %get3A_65 = arith.constant 1 : index
    %get3A_66 = arith.constant 0 : index
    %get3A_67 = arith.constant 0 : index
    %get3A_68 = vector.load %arg1[%get3A_64, %get3A_65, %get3A_66, %get3A_67] : memref<2x5x512x128xf32, #tpu.memory_space<vmem>>, vector<1x1x512x128xf32>
    %get3A_69 = vector.shape_cast %get3A_68 : vector<1x1x512x128xf32> to vector<512x128xf32>
    %slice3A_70 = vector.extract_strided_slice %get3A_69 {offsets = [0, 0], sizes = [512, 64], strides = [1, 1]} : vector<512x128xf32> to vector<512x64xf32>
    %get3A_71 = arith.constant 0 : index
    %get3A_72 = arith.constant 1 : index
    %get3A_73 = arith.constant 0 : index
    %get3A_74 = arith.constant 0 : index
    %get3A_75 = vector.load %arg1[%get3A_71, %get3A_72, %get3A_73, %get3A_74] : memref<2x5x512x128xf32, #tpu.memory_space<vmem>>, vector<1x1x512x128xf32>
    %get3A_76 = vector.shape_cast %get3A_75 : vector<1x1x512x128xf32> to vector<512x128xf32>
    %slice3A_77 = vector.extract_strided_slice %get3A_76 {offsets = [0, 64], sizes = [512, 64], strides = [1, 1]} : vector<512x128xf32> to vector<512x64xf32>
    %get3A_78 = arith.constant 1 : index
    %get3A_79 = arith.constant 1 : index
    %get3A_80 = arith.constant 0 : index
    %get3A_81 = arith.constant 0 : index
    %get3A_82 = vector.load %arg1[%get3A_78, %get3A_79, %get3A_80, %get3A_81] : memref<2x5x512x128xf32, #tpu.memory_space<vmem>>, vector<1x1x512x128xf32>
    %get3A_83 = vector.shape_cast %get3A_82 : vector<1x1x512x128xf32> to vector<512x128xf32>
    %slice3A_84 = vector.extract_strided_slice %get3A_83 {offsets = [0, 0], sizes = [512, 64], strides = [1, 1]} : vector<512x128xf32> to vector<512x64xf32>
    %get3A_85 = arith.constant 1 : index
    %get3A_86 = arith.constant 1 : index
    %get3A_87 = arith.constant 0 : index
    %get3A_88 = arith.constant 0 : index
    %get3A_89 = vector.load %arg1[%get3A_85, %get3A_86, %get3A_87, %get3A_88] : memref<2x5x512x128xf32, #tpu.memory_space<vmem>>, vector<1x1x512x128xf32>
    %get3A_90 = vector.shape_cast %get3A_89 : vector<1x1x512x128xf32> to vector<512x128xf32>
    %slice3A_91 = vector.extract_strided_slice %get3A_90 {offsets = [0, 64], sizes = [512, 64], strides = [1, 1]} : vector<512x128xf32> to vector<512x64xf32>
    %concatenate3A_92 = tpu.concatenate %slice3A_70, %slice3A_77, %slice3A_84, %slice3A_91 in 0 : vector<512x64xf32>, vector<512x64xf32>, vector<512x64xf32>, vector<512x64xf32> -> vector<2048x64xf32>
    %add3A_93 = arith.addf %concatenate3A_92, %concatenate3A : vector<2048x64xf32>
    %max3A_94 = arith.constant 0.000000e+00 : f32
    %max3A_95 = vector.broadcast %max3A_94 : f32 to vector<2048x64xf32>
    %max3A_96 = arith.maximumf %add3A_93, %max3A_95 : vector<2048x64xf32>
    %convert_element_type3A_97 = arith.truncf %max3A_96 : vector<2048x64xf32> to vector<2048x64xbf16>
    %dot_general3A_98 = arith.constant dense<0.000000e+00> : vector<2048x64xf32>
    %dot_general3A_99 = tpu.matmul %convert_element_type3A_97, %get3A_11, %dot_general3A_98 {dimension_numbers = #tpu.dot_dimension_numbers<[1], [1], [0], [0], [0, 0, 1, 0], [], []>, transpose_lhs_hint = false} : vector<2048x64xbf16>, vector<64x64xbf16>, vector<2048x64xf32> -> vector<2048x64xf32>
    %max3A_100 = arith.constant 0.000000e+00 : f32
    %max3A_101 = vector.broadcast %max3A_100 : f32 to vector<2048x64xf32>
    %max3A_102 = arith.maximumf %dot_general3A_99, %max3A_101 : vector<2048x64xf32>
    %convert_element_type3A_103 = arith.truncf %max3A_102 : vector<2048x64xf32> to vector<2048x64xbf16>
    %dot_general3A_104 = arith.constant dense<0.000000e+00> : vector<2048x128xf32>
    %dot_general3A_105 = tpu.matmul %convert_element_type3A_103, %get3A_14, %dot_general3A_104 {dimension_numbers = #tpu.dot_dimension_numbers<[1], [1], [0], [0], [0, 0, 1, 0], [], []>, transpose_lhs_hint = false} : vector<2048x64xbf16>, vector<128x64xbf16>, vector<2048x128xf32> -> vector<2048x128xf32>
    %max3A_106 = arith.constant 0.000000e+00 : f32
    %max3A_107 = vector.broadcast %max3A_106 : f32 to vector<2048x128xf32>
    %max3A_108 = arith.maximumf %dot_general3A_105, %max3A_107 : vector<2048x128xf32>
    %convert_element_type3A_109 = arith.truncf %max3A_108 : vector<2048x128xf32> to vector<2048x128xbf16>
    %dot_general3A_110 = arith.constant dense<0.000000e+00> : vector<2048x256xf32>
    %dot_general3A_111 = tpu.matmul %convert_element_type3A_109, %get3A_17, %dot_general3A_110 {dimension_numbers = #tpu.dot_dimension_numbers<[1], [1], [0], [0], [0, 0, 1, 0], [], []>, transpose_lhs_hint = false} : vector<2048x128xbf16>, vector<256x128xbf16>, vector<2048x256xf32> -> vector<2048x256xf32>
    %max3A_112 = arith.maximumf %max3A_50, %max3A_96 : vector<2048x64xf32>
    %max3A_113 = arith.maximumf %max3A_54, %max3A_102 : vector<2048x64xf32>
    %max3A_114 = arith.maximumf %max3A_60, %max3A_108 : vector<2048x128xf32>
    %max3A_115 = arith.maximumf %dot_general3A_63, %dot_general3A_111 : vector<2048x256xf32>
    %get3A_116 = arith.constant 0 : index
    %get3A_117 = arith.constant 2 : index
    %get3A_118 = arith.constant 0 : index
    %get3A_119 = arith.constant 0 : index
    %get3A_120 = vector.load %arg1[%get3A_116, %get3A_117, %get3A_118, %get3A_119] : memref<2x5x512x128xf32, #tpu.memory_space<vmem>>, vector<1x1x512x128xf32>
    %get3A_121 = vector.shape_cast %get3A_120 : vector<1x1x512x128xf32> to vector<512x128xf32>
    %slice3A_122 = vector.extract_strided_slice %get3A_121 {offsets = [0, 0], sizes = [512, 64], strides = [1, 1]} : vector<512x128xf32> to vector<512x64xf32>
    %get3A_123 = arith.constant 0 : index
    %get3A_124 = arith.constant 2 : index
    %get3A_125 = arith.constant 0 : index
    %get3A_126 = arith.constant 0 : index
    %get3A_127 = vector.load %arg1[%get3A_123, %get3A_124, %get3A_125, %get3A_126] : memref<2x5x512x128xf32, #tpu.memory_space<vmem>>, vector<1x1x512x128xf32>
    %get3A_128 = vector.shape_cast %get3A_127 : vector<1x1x512x128xf32> to vector<512x128xf32>
    %slice3A_129 = vector.extract_strided_slice %get3A_128 {offsets = [0, 64], sizes = [512, 64], strides = [1, 1]} : vector<512x128xf32> to vector<512x64xf32>
    %get3A_130 = arith.constant 1 : index
    %get3A_131 = arith.constant 2 : index
    %get3A_132 = arith.constant 0 : index
    %get3A_133 = arith.constant 0 : index
    %get3A_134 = vector.load %arg1[%get3A_130, %get3A_131, %get3A_132, %get3A_133] : memref<2x5x512x128xf32, #tpu.memory_space<vmem>>, vector<1x1x512x128xf32>
    %get3A_135 = vector.shape_cast %get3A_134 : vector<1x1x512x128xf32> to vector<512x128xf32>
    %slice3A_136 = vector.extract_strided_slice %get3A_135 {offsets = [0, 0], sizes = [512, 64], strides = [1, 1]} : vector<512x128xf32> to vector<512x64xf32>
    %get3A_137 = arith.constant 1 : index
    %get3A_138 = arith.constant 2 : index
    %get3A_139 = arith.constant 0 : index
    %get3A_140 = arith.constant 0 : index
    %get3A_141 = vector.load %arg1[%get3A_137, %get3A_138, %get3A_139, %get3A_140] : memref<2x5x512x128xf32, #tpu.memory_space<vmem>>, vector<1x1x512x128xf32>
    %get3A_142 = vector.shape_cast %get3A_141 : vector<1x1x512x128xf32> to vector<512x128xf32>
    %slice3A_143 = vector.extract_strided_slice %get3A_142 {offsets = [0, 64], sizes = [512, 64], strides = [1, 1]} : vector<512x128xf32> to vector<512x64xf32>
    %concatenate3A_144 = tpu.concatenate %slice3A_122, %slice3A_129, %slice3A_136, %slice3A_143 in 0 : vector<512x64xf32>, vector<512x64xf32>, vector<512x64xf32>, vector<512x64xf32> -> vector<2048x64xf32>
    %add3A_145 = arith.addf %concatenate3A_144, %concatenate3A : vector<2048x64xf32>
    %max3A_146 = arith.constant 0.000000e+00 : f32
    %max3A_147 = vector.broadcast %max3A_146 : f32 to vector<2048x64xf32>
    %max3A_148 = arith.maximumf %add3A_145, %max3A_147 : vector<2048x64xf32>
    %convert_element_type3A_149 = arith.truncf %max3A_148 : vector<2048x64xf32> to vector<2048x64xbf16>
    %dot_general3A_150 = arith.constant dense<0.000000e+00> : vector<2048x64xf32>
    %dot_general3A_151 = tpu.matmul %convert_element_type3A_149, %get3A_11, %dot_general3A_150 {dimension_numbers = #tpu.dot_dimension_numbers<[1], [1], [0], [0], [0, 0, 1, 0], [], []>, transpose_lhs_hint = false} : vector<2048x64xbf16>, vector<64x64xbf16>, vector<2048x64xf32> -> vector<2048x64xf32>
    %max3A_152 = arith.constant 0.000000e+00 : f32
    %max3A_153 = vector.broadcast %max3A_152 : f32 to vector<2048x64xf32>
    %max3A_154 = arith.maximumf %dot_general3A_151, %max3A_153 : vector<2048x64xf32>
    %convert_element_type3A_155 = arith.truncf %max3A_154 : vector<2048x64xf32> to vector<2048x64xbf16>
    %dot_general3A_156 = arith.constant dense<0.000000e+00> : vector<2048x128xf32>
    %dot_general3A_157 = tpu.matmul %convert_element_type3A_155, %get3A_14, %dot_general3A_156 {dimension_numbers = #tpu.dot_dimension_numbers<[1], [1], [0], [0], [0, 0, 1, 0], [], []>, transpose_lhs_hint = false} : vector<2048x64xbf16>, vector<128x64xbf16>, vector<2048x128xf32> -> vector<2048x128xf32>
    %max3A_158 = arith.constant 0.000000e+00 : f32
    %max3A_159 = vector.broadcast %max3A_158 : f32 to vector<2048x128xf32>
    %max3A_160 = arith.maximumf %dot_general3A_157, %max3A_159 : vector<2048x128xf32>
    %convert_element_type3A_161 = arith.truncf %max3A_160 : vector<2048x128xf32> to vector<2048x128xbf16>
    %dot_general3A_162 = arith.constant dense<0.000000e+00> : vector<2048x256xf32>
    %dot_general3A_163 = tpu.matmul %convert_element_type3A_161, %get3A_17, %dot_general3A_162 {dimension_numbers = #tpu.dot_dimension_numbers<[1], [1], [0], [0], [0, 0, 1, 0], [], []>, transpose_lhs_hint = false} : vector<2048x128xbf16>, vector<256x128xbf16>, vector<2048x256xf32> -> vector<2048x256xf32>
    %max3A_164 = arith.maximumf %max3A_112, %max3A_148 : vector<2048x64xf32>
    %max3A_165 = arith.maximumf %max3A_113, %max3A_154 : vector<2048x64xf32>
    %max3A_166 = arith.maximumf %max3A_114, %max3A_160 : vector<2048x128xf32>
    %max3A_167 = arith.maximumf %max3A_115, %dot_general3A_163 : vector<2048x256xf32>
    %get3A_168 = arith.constant 0 : index
    %get3A_169 = arith.constant 3 : index
    %get3A_170 = arith.constant 0 : index
    %get3A_171 = arith.constant 0 : index
    %get3A_172 = vector.load %arg1[%get3A_168, %get3A_169, %get3A_170, %get3A_171] : memref<2x5x512x128xf32, #tpu.memory_space<vmem>>, vector<1x1x512x128xf32>
    %get3A_173 = vector.shape_cast %get3A_172 : vector<1x1x512x128xf32> to vector<512x128xf32>
    %slice3A_174 = vector.extract_strided_slice %get3A_173 {offsets = [0, 0], sizes = [512, 64], strides = [1, 1]} : vector<512x128xf32> to vector<512x64xf32>
    %get3A_175 = arith.constant 0 : index
    %get3A_176 = arith.constant 3 : index
    %get3A_177 = arith.constant 0 : index
    %get3A_178 = arith.constant 0 : index
    %get3A_179 = vector.load %arg1[%get3A_175, %get3A_176, %get3A_177, %get3A_178] : memref<2x5x512x128xf32, #tpu.memory_space<vmem>>, vector<1x1x512x128xf32>
    %get3A_180 = vector.shape_cast %get3A_179 : vector<1x1x512x128xf32> to vector<512x128xf32>
    %slice3A_181 = vector.extract_strided_slice %get3A_180 {offsets = [0, 64], sizes = [512, 64], strides = [1, 1]} : vector<512x128xf32> to vector<512x64xf32>
    %get3A_182 = arith.constant 1 : index
    %get3A_183 = arith.constant 3 : index
    %get3A_184 = arith.constant 0 : index
    %get3A_185 = arith.constant 0 : index
    %get3A_186 = vector.load %arg1[%get3A_182, %get3A_183, %get3A_184, %get3A_185] : memref<2x5x512x128xf32, #tpu.memory_space<vmem>>, vector<1x1x512x128xf32>
    %get3A_187 = vector.shape_cast %get3A_186 : vector<1x1x512x128xf32> to vector<512x128xf32>
    %slice3A_188 = vector.extract_strided_slice %get3A_187 {offsets = [0, 0], sizes = [512, 64], strides = [1, 1]} : vector<512x128xf32> to vector<512x64xf32>
    %get3A_189 = arith.constant 1 : index
    %get3A_190 = arith.constant 3 : index
    %get3A_191 = arith.constant 0 : index
    %get3A_192 = arith.constant 0 : index
    %get3A_193 = vector.load %arg1[%get3A_189, %get3A_190, %get3A_191, %get3A_192] : memref<2x5x512x128xf32, #tpu.memory_space<vmem>>, vector<1x1x512x128xf32>
    %get3A_194 = vector.shape_cast %get3A_193 : vector<1x1x512x128xf32> to vector<512x128xf32>
    %slice3A_195 = vector.extract_strided_slice %get3A_194 {offsets = [0, 64], sizes = [512, 64], strides = [1, 1]} : vector<512x128xf32> to vector<512x64xf32>
    %concatenate3A_196 = tpu.concatenate %slice3A_174, %slice3A_181, %slice3A_188, %slice3A_195 in 0 : vector<512x64xf32>, vector<512x64xf32>, vector<512x64xf32>, vector<512x64xf32> -> vector<2048x64xf32>
    %add3A_197 = arith.addf %concatenate3A_196, %concatenate3A : vector<2048x64xf32>
    %max3A_198 = arith.constant 0.000000e+00 : f32
    %max3A_199 = vector.broadcast %max3A_198 : f32 to vector<2048x64xf32>
    %max3A_200 = arith.maximumf %add3A_197, %max3A_199 : vector<2048x64xf32>
    %convert_element_type3A_201 = arith.truncf %max3A_200 : vector<2048x64xf32> to vector<2048x64xbf16>
    %dot_general3A_202 = arith.constant dense<0.000000e+00> : vector<2048x64xf32>
    %dot_general3A_203 = tpu.matmul %convert_element_type3A_201, %get3A_11, %dot_general3A_202 {dimension_numbers = #tpu.dot_dimension_numbers<[1], [1], [0], [0], [0, 0, 1, 0], [], []>, transpose_lhs_hint = false} : vector<2048x64xbf16>, vector<64x64xbf16>, vector<2048x64xf32> -> vector<2048x64xf32>
    %max3A_204 = arith.constant 0.000000e+00 : f32
    %max3A_205 = vector.broadcast %max3A_204 : f32 to vector<2048x64xf32>
    %max3A_206 = arith.maximumf %dot_general3A_203, %max3A_205 : vector<2048x64xf32>
    %convert_element_type3A_207 = arith.truncf %max3A_206 : vector<2048x64xf32> to vector<2048x64xbf16>
    %dot_general3A_208 = arith.constant dense<0.000000e+00> : vector<2048x128xf32>
    %dot_general3A_209 = tpu.matmul %convert_element_type3A_207, %get3A_14, %dot_general3A_208 {dimension_numbers = #tpu.dot_dimension_numbers<[1], [1], [0], [0], [0, 0, 1, 0], [], []>, transpose_lhs_hint = false} : vector<2048x64xbf16>, vector<128x64xbf16>, vector<2048x128xf32> -> vector<2048x128xf32>
    %max3A_210 = arith.constant 0.000000e+00 : f32
    %max3A_211 = vector.broadcast %max3A_210 : f32 to vector<2048x128xf32>
    %max3A_212 = arith.maximumf %dot_general3A_209, %max3A_211 : vector<2048x128xf32>
    %convert_element_type3A_213 = arith.truncf %max3A_212 : vector<2048x128xf32> to vector<2048x128xbf16>
    %dot_general3A_214 = arith.constant dense<0.000000e+00> : vector<2048x256xf32>
    %dot_general3A_215 = tpu.matmul %convert_element_type3A_213, %get3A_17, %dot_general3A_214 {dimension_numbers = #tpu.dot_dimension_numbers<[1], [1], [0], [0], [0, 0, 1, 0], [], []>, transpose_lhs_hint = false} : vector<2048x128xbf16>, vector<256x128xbf16>, vector<2048x256xf32> -> vector<2048x256xf32>
    %max3A_216 = arith.maximumf %max3A_164, %max3A_200 : vector<2048x64xf32>
    %max3A_217 = arith.maximumf %max3A_165, %max3A_206 : vector<2048x64xf32>
    %max3A_218 = arith.maximumf %max3A_166, %max3A_212 : vector<2048x128xf32>
    %max3A_219 = arith.maximumf %max3A_167, %dot_general3A_215 : vector<2048x256xf32>
    %get3A_220 = arith.constant 0 : index
    %get3A_221 = arith.constant 4 : index
    %get3A_222 = arith.constant 0 : index
    %get3A_223 = arith.constant 0 : index
    %get3A_224 = vector.load %arg1[%get3A_220, %get3A_221, %get3A_222, %get3A_223] : memref<2x5x512x128xf32, #tpu.memory_space<vmem>>, vector<1x1x512x128xf32>
    %get3A_225 = vector.shape_cast %get3A_224 : vector<1x1x512x128xf32> to vector<512x128xf32>
    %slice3A_226 = vector.extract_strided_slice %get3A_225 {offsets = [0, 0], sizes = [512, 64], strides = [1, 1]} : vector<512x128xf32> to vector<512x64xf32>
    %get3A_227 = arith.constant 0 : index
    %get3A_228 = arith.constant 4 : index
    %get3A_229 = arith.constant 0 : index
    %get3A_230 = arith.constant 0 : index
    %get3A_231 = vector.load %arg1[%get3A_227, %get3A_228, %get3A_229, %get3A_230] : memref<2x5x512x128xf32, #tpu.memory_space<vmem>>, vector<1x1x512x128xf32>
    %get3A_232 = vector.shape_cast %get3A_231 : vector<1x1x512x128xf32> to vector<512x128xf32>
    %slice3A_233 = vector.extract_strided_slice %get3A_232 {offsets = [0, 64], sizes = [512, 64], strides = [1, 1]} : vector<512x128xf32> to vector<512x64xf32>
    %get3A_234 = arith.constant 1 : index
    %get3A_235 = arith.constant 4 : index
    %get3A_236 = arith.constant 0 : index
    %get3A_237 = arith.constant 0 : index
    %get3A_238 = vector.load %arg1[%get3A_234, %get3A_235, %get3A_236, %get3A_237] : memref<2x5x512x128xf32, #tpu.memory_space<vmem>>, vector<1x1x512x128xf32>
    %get3A_239 = vector.shape_cast %get3A_238 : vector<1x1x512x128xf32> to vector<512x128xf32>
    %slice3A_240 = vector.extract_strided_slice %get3A_239 {offsets = [0, 0], sizes = [512, 64], strides = [1, 1]} : vector<512x128xf32> to vector<512x64xf32>
    %get3A_241 = arith.constant 1 : index
    %get3A_242 = arith.constant 4 : index
    %get3A_243 = arith.constant 0 : index
    %get3A_244 = arith.constant 0 : index
    %get3A_245 = vector.load %arg1[%get3A_241, %get3A_242, %get3A_243, %get3A_244] : memref<2x5x512x128xf32, #tpu.memory_space<vmem>>, vector<1x1x512x128xf32>
    %get3A_246 = vector.shape_cast %get3A_245 : vector<1x1x512x128xf32> to vector<512x128xf32>
    %slice3A_247 = vector.extract_strided_slice %get3A_246 {offsets = [0, 64], sizes = [512, 64], strides = [1, 1]} : vector<512x128xf32> to vector<512x64xf32>
    %concatenate3A_248 = tpu.concatenate %slice3A_226, %slice3A_233, %slice3A_240, %slice3A_247 in 0 : vector<512x64xf32>, vector<512x64xf32>, vector<512x64xf32>, vector<512x64xf32> -> vector<2048x64xf32>
    %add3A_249 = arith.addf %concatenate3A_248, %concatenate3A : vector<2048x64xf32>
    %max3A_250 = arith.constant 0.000000e+00 : f32
    %max3A_251 = vector.broadcast %max3A_250 : f32 to vector<2048x64xf32>
    %max3A_252 = arith.maximumf %add3A_249, %max3A_251 : vector<2048x64xf32>
    %convert_element_type3A_253 = arith.truncf %max3A_252 : vector<2048x64xf32> to vector<2048x64xbf16>
    %dot_general3A_254 = arith.constant dense<0.000000e+00> : vector<2048x64xf32>
    %dot_general3A_255 = tpu.matmul %convert_element_type3A_253, %get3A_11, %dot_general3A_254 {dimension_numbers = #tpu.dot_dimension_numbers<[1], [1], [0], [0], [0, 0, 1, 0], [], []>, transpose_lhs_hint = false} : vector<2048x64xbf16>, vector<64x64xbf16>, vector<2048x64xf32> -> vector<2048x64xf32>
    %max3A_256 = arith.constant 0.000000e+00 : f32
    %max3A_257 = vector.broadcast %max3A_256 : f32 to vector<2048x64xf32>
    %max3A_258 = arith.maximumf %dot_general3A_255, %max3A_257 : vector<2048x64xf32>
    %convert_element_type3A_259 = arith.truncf %max3A_258 : vector<2048x64xf32> to vector<2048x64xbf16>
    %dot_general3A_260 = arith.constant dense<0.000000e+00> : vector<2048x128xf32>
    %dot_general3A_261 = tpu.matmul %convert_element_type3A_259, %get3A_14, %dot_general3A_260 {dimension_numbers = #tpu.dot_dimension_numbers<[1], [1], [0], [0], [0, 0, 1, 0], [], []>, transpose_lhs_hint = false} : vector<2048x64xbf16>, vector<128x64xbf16>, vector<2048x128xf32> -> vector<2048x128xf32>
    %max3A_262 = arith.constant 0.000000e+00 : f32
    %max3A_263 = vector.broadcast %max3A_262 : f32 to vector<2048x128xf32>
    %max3A_264 = arith.maximumf %dot_general3A_261, %max3A_263 : vector<2048x128xf32>
    %convert_element_type3A_265 = arith.truncf %max3A_264 : vector<2048x128xf32> to vector<2048x128xbf16>
    %dot_general3A_266 = arith.constant dense<0.000000e+00> : vector<2048x256xf32>
    %dot_general3A_267 = tpu.matmul %convert_element_type3A_265, %get3A_17, %dot_general3A_266 {dimension_numbers = #tpu.dot_dimension_numbers<[1], [1], [0], [0], [0, 0, 1, 0], [], []>, transpose_lhs_hint = false} : vector<2048x128xbf16>, vector<256x128xbf16>, vector<2048x256xf32> -> vector<2048x256xf32>
    %max3A_268 = arith.maximumf %max3A_216, %max3A_252 : vector<2048x64xf32>
    %max3A_269 = arith.maximumf %max3A_217, %max3A_258 : vector<2048x64xf32>
    %max3A_270 = arith.maximumf %max3A_218, %max3A_264 : vector<2048x128xf32>
    %max3A_271 = arith.maximumf %max3A_219, %dot_general3A_267 : vector<2048x256xf32>
    %max3A_272 = arith.constant 0.000000e+00 : f32
    %max3A_273 = vector.broadcast %max3A_272 : f32 to vector<2048x256xf32>
    %max3A_274 = arith.maximumf %max3A_271, %max3A_273 : vector<2048x256xf32>
    %concatenate3A_275 = tpu.concatenate %max3A_268, %max3A_269, %max3A_270, %max3A_274 in 1 : vector<2048x64xf32>, vector<2048x64xf32>, vector<2048x128xf32>, vector<2048x256xf32> -> vector<2048x512xf32>
    %convert_element_type3A_276 = arith.truncf %concatenate3A_275 : vector<2048x512xf32> to vector<2048x512xbf16>
    %dot_general3A_277 = arith.constant dense<0.000000e+00> : vector<512x2048xf32>
    %dot_general3A_278 = tpu.matmul %get3A_20, %convert_element_type3A_276, %dot_general3A_277 {dimension_numbers = #tpu.dot_dimension_numbers<[1], [1], [0], [0], [0, 0, 1, 0], [], []>, transpose_lhs_hint = false} : vector<512x512xbf16>, vector<2048x512xbf16>, vector<512x2048xf32> -> vector<512x2048xf32>
    %max3A_279 = arith.constant 0.000000e+00 : f32
    %max3A_280 = vector.broadcast %max3A_279 : f32 to vector<512x2048xf32>
    %max3A_281 = arith.maximumf %dot_general3A_278, %max3A_280 : vector<512x2048xf32>
    %slice3A_282 = vector.extract_strided_slice %max3A_281 {offsets = [0, 0], sizes = [512, 1024], strides = [1, 1]} : vector<512x2048xf32> to vector<512x1024xf32>
    %swap3A = arith.constant 0 : index
    %swap3A_283 = arith.constant 0 : index
    %swap3A_284 = arith.constant 0 : index
    %swap3A_285 = vector.load %arg7[%swap3A, %swap3A_283, %swap3A_284] : memref<2x512x1024xf32, #tpu.memory_space<vmem>>, vector<1x512x1024xf32>
    %swap3A_286 = vector.shape_cast %swap3A_285 : vector<1x512x1024xf32> to vector<512x1024xf32>
    %swap3A_287 = vector.shape_cast %slice3A_282 : vector<512x1024xf32> to vector<1x512x1024xf32>
    tpu.vector_store %arg7[%swap3A, %swap3A_283, %swap3A_284], %swap3A_287 {strides = array<i32>} : memref<2x512x1024xf32, #tpu.memory_space<vmem>>, vector<1x512x1024xf32>,
    %slice3A_288 = vector.extract_strided_slice %max3A_281 {offsets = [0, 1024], sizes = [512, 1024], strides = [1, 1]} : vector<512x2048xf32> to vector<512x1024xf32>
    %swap3A_289 = arith.constant 1 : index
    %swap3A_290 = arith.constant 0 : index
    %swap3A_291 = arith.constant 0 : index
    %swap3A_292 = vector.load %arg7[%swap3A_289, %swap3A_290, %swap3A_291] : memref<2x512x1024xf32, #tpu.memory_space<vmem>>, vector<1x512x1024xf32>
    %swap3A_293 = vector.shape_cast %swap3A_292 : vector<1x512x1024xf32> to vector<512x1024xf32>
    %swap3A_294 = vector.shape_cast %slice3A_288 : vector<512x1024xf32> to vector<1x512x1024xf32>
    tpu.vector_store %arg7[%swap3A_289, %swap3A_290, %swap3A_291], %swap3A_294 {strides = array<i32>} : memref<2x512x1024xf32, #tpu.memory_space<vmem>>, vector<1x512x1024xf32>,
    return
  }
  func.func @transform_0(%arg0: i32) -> (i32, i32, i32, i32) {
    %c0_i32 = arith.constant 0 : i32
    %c0_i32_0 = arith.constant 0 : i32
    %c0_i32_1 = arith.constant 0 : i32
    %c0_i32_2 = arith.constant 0 : i32
    return %arg0, %c0_i32, %c0_i32_0, %c0_i32_1 : i32, i32, i32, i32
  }
  func.func @transform_1(%arg0: i32) -> (i32, i32, i32) {
    %c0_i32 = arith.constant 0 : i32
    %c0_i32_0 = arith.constant 0 : i32
    %c0_i32_1 = arith.constant 0 : i32
    return %arg0, %c0_i32, %c0_i32_0 : i32, i32, i32
  }
  func.func @transform_2(%arg0: i32) -> (i32, i32) {
    %c0_i32 = arith.constant 0 : i32
    %c0_i32_0 = arith.constant 0 : i32
    %c0_i32_1 = arith.constant 0 : i32
    return %c0_i32, %c0_i32_0 : i32, i32
  }
  func.func @transform_3(%arg0: i32) -> (i32, i32) {
    %c0_i32 = arith.constant 0 : i32
    %c0_i32_0 = arith.constant 0 : i32
    %c0_i32_1 = arith.constant 0 : i32
    return %c0_i32, %c0_i32_0 : i32, i32
  }
  func.func @transform_4(%arg0: i32) -> (i32, i32) {
    %c0_i32 = arith.constant 0 : i32
    %c0_i32_0 = arith.constant 0 : i32
    %c0_i32_1 = arith.constant 0 : i32
    return %c0_i32, %c0_i32_0 : i32, i32
  }
  func.func @transform_5(%arg0: i32) -> (i32, i32) {
    %c0_i32 = arith.constant 0 : i32
    %c0_i32_0 = arith.constant 0 : i32
    %c0_i32_1 = arith.constant 0 : i32
    return %c0_i32, %c0_i32_0 : i32, i32
  }
  func.func @transform_6(%arg0: i32) -> (i32, i32, i32) {
    %c0_i32 = arith.constant 0 : i32
    %c0_i32_0 = arith.constant 0 : i32
    %c0_i32_1 = arith.constant 0 : i32
    return %arg0, %c0_i32, %c0_i32_0 : i32, i32, i32
  }
}

</mosaic_0001>

<sc_bundles>
// kernel: kernel.5.cloned.1.call-start
scs
__scs_entry_jumppad:
0x0: {  	(pc) =	sbr.rel $0x88, $3  }
0x1: {  	(tag) =	ssettag $0x0;
	lr =	simm.s32 $0x1  }
0x2: {  	[smem:$0x3F9B] =	sst lr;
	_ =	strace $0xD0000000  }
0x3: {  	_ = 	snop  }
0x4: {  	_ = 	snop  }
0x5: {  	_ = 	snop  }
0x6: {  	_ = 	snop  }
0x7: {  	_ = 	snop  }
__scs_overlays_trampoline_lowered:
0x8: {  	[smem:$0x3FAA] =	sst s0  }
0x9: {  	[smem:$0x3FAB] =	sst s1  }
0xa: {  	[smem:$0x3FAC] =	sst s2  }
0xb: {  	[smem:$0x3FAD] =	sst s3  }
0xc: {  	[smem:$0x3FAE] =	sst s4  }
0xd: {  	[smem:$0x3FAF] =	sst s5  }
0xe: {  	[smem:$0x3FB0] =	sst s6  }
0xf: {  	[smem:$0x3FB1] =	sst s7  }
0x10: {  	[smem:$0x3FB2] =	sst s8  }
0x11: {  	[smem:$0x3FB3] =	sst s9;
	s0 =	simm.s32 @!p0 $0x0  }
0x12: {  	s1 =	sld [smem:$0x3F99];
	s0 =	simm.s32 @p0 $0x1  }
0x13: {  	[smem:$0x3FB4] =	sst s0;
	s0 =	simm.s32 @!p1 $0x0  }
0x14: {  	s2 =	sld [smem:$0x3F98];
	s0 =	simm.s32 @p1 $0x1  }
0x15: {  	[smem:$0x3FB5] =	sst s0;
	s0 =	simm.s32 @!p2 $0x0  }
0x16: {  	s3 =	sld [smem:$0x3FDB];
	s0 =	simm.s32 @p2 $0x1  }
0x17: {  	s4 =	simm.s32 $0x1BF5;
	[smem:$0x3FB7] =	sst s0  }
0x18: {  	s0 =	sld [smem:$0x3F9A];
	_ =	swait.ge [sflag:s4], $0x0  }
0x19: {  	s7 =	sld [smem:$0x3F9B]  }
0x1a: {  	s8 =	sadd.s32 $0xFFFFE003, lr  }
0x1b: {  	s9 =	sadd.s32 $0xFFFFFEF7, lr;
	s5 =	simm.s32 $0xFFFFFFFF;
	p2 =	slt.u32 s8, $0xFFFFF086  }
0x1c: {  	p1 =	slt.u32 s9, $0xF7A;
	s5 =	simm.s32 @!p2 $0x0  }
0x1d: {  	s5 =	simm.s32 @p1 $0x1;
	p0 =	seq.s32 s7, s2  }
0x1e: {  	s7 =	smul.u32 @!p0 $0xF7A, s2;
	p2 =	seq.s32 @!p0 s5, $0x0  }
0x1f: {  	s9 =	smul.u32 $0xF7A, s1;
	s8 =	simm.s32 @!p0 $0x1BF5;
	p2 =	por !p2, p0  }
0x20: {  	[sflag:s8] =	ssyncset.s32 @!p0 $0xFFFFF086;
	s6 =	sadd.s32 @!p0 s3, s7;
	s7 =	simm.s32 @!p0 $0x108  }
0x21: {  	s3 =	sadd.s32 s3, s9;
	s6 =	sadd.s32 @!p0 $0x88, s6;
	s7 =	simm.s32 @p2 $0x1082  }
0x22: {  	[simem:s7], [sflag:s8] =	dma.local @!p0 [hbm:s6], $0xF7A  }
0x23: {  	s9 =	sor.u32 $0xD0000000, s2;
	s6 =	simm.s32 $0x108;
	_ =	swait.ge @!p0 [sflag:s8], $0x0  }
0x24: {  	s3 =	sadd.s32 $0x88, s3;
	s6 =	simm.s32 @!p1 $0x1082;
	[sflag:s4] =	ssyncset.s32 $0xFFFFF086  }
0x25: {  	[simem:s6], [sflag:s4] =	dma.local [hbm:s3], $0xF7A  }
0x26: {  	[smem:$0x3F9B] =	sst s1;
	(tag) =	ssettag s2;
	_ =	strace s9  }
0x27: {  	s1 =	sld [smem:$0x3FAB]  }
0x28: {  	s2 =	sld [smem:$0x3FAC]  }
0x29: {  	s4 =	sld [smem:$0x3FAE]  }
0x2a: {  	p0 =	seq.s32 s5, $0x0;
	s5 =	sld [smem:$0x3FAF]  }
0x2b: {  	s6 =	sld [smem:$0x3FB0]  }
0x2c: {  	s7 =	sld [smem:$0x3FB1]  }
0x2d: {  	s3 =	simm.s32 $0x108;
	s8 =	sld [smem:$0x3FB2]  }
0x2e: {  	s3 =	simm.s32 @!p0 $0x1082;
	s9 =	sld [smem:$0x3FB3]  }
0x2f: {  	lr =	sadd.s32 s0, s3;
	s0 =	sld [smem:$0x3FAA]  }
0x30: {  	s3 =	sld [smem:$0x3FAD]  }
0x31: {  	[smem:$0x3FB6] =	sst s10  }
0x32: {  	s10 =	sld [smem:$0x3FB4];
	_ =	sdelay $0x3  }
0x33: {  	p0 =	seq.s32 s10, $0x1;
	s10 =	sld [smem:$0x3FB6];
	_ =	sdelay $0x3  }
0x34: {  	[smem:$0x3FB6] =	sst s10  }
0x35: {  	s10 =	sld [smem:$0x3FB5];
	_ =	sdelay $0x3  }
0x36: {  	p1 =	seq.s32 s10, $0x1;
	s10 =	sld [smem:$0x3FB6];
	_ =	sdelay $0x3  }
0x37: {  	[smem:$0x3FB6] =	sst s10  }
0x38: {  	s10 =	sld [smem:$0x3FB7]  }
0x39: {  	_ = 	snop;
	(pc) =	sbr.ind lr, $3  }
0x3a: {  	_ = 	snop  }
0x3b: {  	_ = 	snop  }
0x3c: {  	p2 =	seq.s32 s10, $0x1;
	s10 =	sld [smem:$0x3FB6]  }
0x3d: {  	_ =	shalt  }
0x3e: {  	_ =	shalt  }
0x3f: {  	_ =	shalt  }
0x40: {  	_ =	shalt  }
0x41: {  	_ =	shalt  }
0x42: {  	_ =	shalt  }
0x43: {  	_ =	shalt  }
0x44: {  	_ =	shalt  }
0x45: {  	_ =	shalt  }
0x46: {  	_ =	shalt  }
0x47: {  	_ =	shalt  }
0x48: {  	_ =	shalt  }
0x49: {  	_ =	shalt  }
0x4a: {  	_ =	shalt  }
0x4b: {  	_ =	shalt  }
0x4c: {  	_ =	shalt  }
0x4d: {  	_ =	shalt  }
0x4e: {  	_ =	shalt  }
0x4f: {  	_ =	shalt  }
0x50: {  	_ =	shalt  }
0x51: {  	_ =	shalt  }
0x52: {  	_ =	shalt  }
0x53: {  	_ =	shalt  }
0x54: {  	_ =	shalt  }
0x55: {  	_ =	shalt  }
0x56: {  	_ =	shalt  }
0x57: {  	_ =	shalt  }
0x58: {  	_ =	shalt  }
0x59: {  	_ =	shalt  }
0x5a: {  	_ =	shalt  }
0x5b: {  	_ =	shalt  }
0x5c: {  	_ =	shalt  }
0x5d: {  	_ =	shalt  }
0x5e: {  	_ =	shalt  }
0x5f: {  	_ =	shalt  }
0x60: {  	_ =	shalt  }
0x61: {  	_ =	shalt  }
0x62: {  	_ =	shalt  }
0x63: {  	_ =	shalt  }
0x64: {  	_ =	shalt  }
0x65: {  	_ =	shalt  }
0x66: {  	_ =	shalt  }
0x67: {  	_ =	shalt  }
0x68: {  	_ =	shalt  }
0x69: {  	_ =	shalt  }
0x6a: {  	_ =	shalt  }
0x6b: {  	_ =	shalt  }
0x6c: {  	_ =	shalt  }
0x6d: {  	_ =	shalt  }
0x6e: {  	_ =	shalt  }
0x6f: {  	_ =	shalt  }
0x70: {  	_ =	shalt  }
0x71: {  	_ =	shalt  }
0x72: {  	_ =	shalt  }
0x73: {  	_ =	shalt  }
0x74: {  	_ =	shalt  }
0x75: {  	_ =	shalt  }
0x76: {  	_ =	shalt  }
0x77: {  	_ =	shalt  }
0x78: {  	_ =	shalt  }
0x79: {  	_ =	shalt  }
0x7a: {  	_ =	shalt  }
0x7b: {  	_ =	shalt  }
0x7c: {  	_ =	shalt  }
0x7d: {  	_ =	shalt  }
0x7e: {  	_ =	shalt  }
0x7f: {  	_ =	shalt  }
0x80: {  	_ =	shalt  }
0x81: {  	_ =	shalt  }
0x82: {  	_ =	shalt  }
0x83: {  	_ =	shalt  }
0x84: {  	_ =	shalt  }
0x85: {  	_ =	shalt  }
0x86: {  	_ =	shalt  }
0x87: {  	_ =	shalt  }
.Lfunc_end0:
.L_simem_size_0:
called_computation_lowered:
.L_overlay_start_0:
0x88: {  	s2 =	sld [smem:$0x3FD9]  }
0x89: {  	s3 =	sld [smem:$0x3FFE];
	_ =	sdelay $0x1  }
0x8a: {  	s1 =	srdreg.scid  }
0x8b: {  	s0 =	sand.u32 $0x1, s1  }
0x8c: {  	s17 =	sshll.u32 s0, $0xA;
	s2 =	sadd.s32 s3, s2  }
0x8d: {  	s2 =	sadd.s32 s2, s17  }
0x8e: {  	[smem:$0x3FC2] =	sst s2  }
0x8f: {  	_ = 	snop  }
0x90: {  	s2 =	sld [smem:$0x3FD0];
	(tm) =	ssettm $0x1  }
0x91: {  	s18 =	sld [smem:$0x3FFB];
	_ =	sdelay $0x3  }
0x92: {  	_ =	strace s18  }
0x93: {  	s3 =	sld [smem:$0x3FFC];
	_ =	sdelay $0x3  }
0x94: {  	_ =	strace s3  }
0x95: {  	s3 =	sld [smem:$0x3FFD];
	_ =	sdelay $0x3  }
0x96: {  	_ =	strace s3  }
0x97: {  	_ =	strace $0x8FFFFFFF  }
0x98: {  	s19 =	sld [smem:$0x3FDB];
	_ =	sdelay $0x1  }
0x99: {  	s4 =	simm.s32 $_scs_section_size  }
0x9a: {  	s5 =	simm.s32 $_size__tile_overlayer_lowered;
	s6 =	simm.s32 $_tile_overlayer_lowered  }
0x9b: {  	s22 =	simm.s32 $0x1BFF;
	s21 =	sshll.u32 s6, $0x1;
	s3 =	sadd.s32 s4, s19  }
0x9c: {  	s7 =	simm.s32 $0x0;
	s20 =	sshll.u32 s5, $0x1;
	s5 =	sadd.s32 s21, s3  }
0x9d: {  	[timem:s7], [sflag:s22] =	dma.local [hbm:s5], s20  }
0x9e: {  	_ =	swait.ge [sflag:s22], s20  }
0x9f: {  	s4 =	ssub.s32 $0x0, s20;
	[sflag:s22] =	ssyncset.done $0x0  }
0xa0: {  	[sflag:s22] =	ssyncadd.s32 s4;
	_ =	sdelay $0x1  }
0xa1: {  	s23 =	simm.s32 $0x1B8B  }
0xa2: {  	_ =	swait.ge [sflag:s23], $0x1  }
0xa3: {  	[sflag:s23] =	ssyncset.done $0x0  }
0xa4: {  	s25 =	simm.s32 $0x1B8E;
	s24 =	sld [smem:$0x3FFE];
	[sflag:s23] =	ssyncadd.s32 $0xFFFFFFFF  }
0xa5: {  	s26 =	simm.s32 $execute0_lowered;
	[smem:$0x3FD2] =	sst s25  }
0xa6: {  	s5 =	sshll.u32 s26, $0x1;
	_ =	strace $0x80000046;
	[dreg:$0x1] =	wrdreg $0xFFFFFFFF  }
0xa7: {  	s28 =	simm.s32 $_size_execute0_lowered;
	s3 =	sadd.s32 s3, s5;
	[dreg:$0x0] =	wrdreg $0x0  }
0xa8: {  	s5 =	sshll.u32 s28, $0x1;
	[dreg:$0x2] =	wrdreg s3  }
0xa9: {  	[dreg:$0x3] =	wrdreg s5  }
0xaa: {  	[dreg:$0x4] =	wrdreg $0xC0  }
0xab: {  	_ =	task [dreg:s7], $0x5FFFF  }
0xac: {  	[dreg:$0x1] =	wrdreg $0xFFFFFFFF  }
0xad: {  	[dreg:$0x0] =	wrdreg $0x60  }
0xae: {  	[dreg:$0x2] =	wrdreg s2  }
0xaf: {  	[dreg:$0x3] =	wrdreg s24  }
0xb0: {  	[dreg:$0x4] =	wrdreg $0x9  }
0xb1: {  	_ =	task.clear_ibuf [dreg:s7], $0x5FFFF;
	_ =	strace $0x90000046  }
0xb2: {  	s29 =	simm.s32 $0x9;
	_ =	strace $0x80000048  }
0xb3: {  	_ =	swait.ge [sflag:s29], $0x1  }
0xb4: {  	[sflag:s29] =	ssyncadd.s32 $0xFFFFFFFF  }
0xb5: {  	_ =	strace $0x90000048  }
0xb6: {  	_ =	sfence  }
0xb7: {  	s30 =	sld [smem:$0x0];
	_ =	sdelay $0x2  }
0xb8: {  	s31 =	sshll.u32 s1, $0xD;
	s1 =	sshrl.u32 s1, $0x2  }
0xb9: {  	s3 =	sand.u32 $0x4000, s31;
	s1 =	sadd.s32 s1, s30  }
0xba: {  	s0 =	sor.u32 s3, s0;
	s1 =	sshll.u32 s1, $0x11  }
0xbb: {  	s0 =	sor.u32 s1, s0  }
0xbc: {  	s0 =	sadd.s32 $0x8F2B, s0  }
0xbd: {  	[sflag:s0] =	ssyncadd.remote.s32 $0x1  }
0xbe: {  	_ =	sfence.sel $0xFFFF  }
0xbf: {  	[dreg:$0x0] =	wrdreg $0xFFFFFFFF;
	(pc) =	sbr.abs _section_cstart, $3  }
0xc0: {  	[dreg:$0x1] =	wrdreg $0xFFFFFFFF  }
0xc1: {  	_ =	task.clear_ibuf [dreg:s7], $0x2FFFF;
	_ =	strace $0x9FFFFFFF  }
0xc2: {  	(tm) =	ssettm $0x7FFFFFFF  }
0xc3: {  	_ =	shalt  }
tec
execute0_lowered:
.L_overlay_start_1:
0x0: {  	(tag) =	ssettag $0x1  }
0x1: {  	s2 =	rddreg [dreg:$0x0]  }
0x2: {  	s0 =	srdreg.scid;
	s1 =	rddreg [dreg:$0x1]  }
0x3: {  	s23 =	stileid.u32;
	s24 =	rddreg [dreg:$0x2]  }
0x4: {  	s4 =	simm.s32 $0x0;
	s10 =	simm.s32 $0x2400;
	s11 =	simm.s32 $0x100  }
0x5: {  	s12 =	simm.s32 $0x4400;
	s13 =	simm.s32 $0x180;
	s14 =	simm.s32 $0x6400  }
0x6: {  	s15 =	simm.s32 $0x200;
	s16 =	simm.s32 $0x280;
	s17 =	simm.s32 $0xA400  }
0x7: {  	p1 =	por $0x0, $0x0;
	s0 =	sand.u32 $0x1, s0;
	s3 =	sshll.u32 s23, $0x1  }
0x8: {  	[smem:$0x7FF] =	sst s4;
	s5 =	sadd.s32 $0xE00, s1;
	s7 =	sadd.s32 $0x3600, s1  }
0x9: {  	s1 =	sadd.s32 $0x3608, s1;
	p0 =	sgt.u32 s23, $0x7;
	s3 =	sor.u32 s0, s3  }
0xa: {  	_ =	strace $0x80000047;
	s0 =	ssub.s32 $0x2, s0;
	s6 =	sshll.u32 s3, $0x7  }
0xb: {  	s18 =	sshll.u32 s3, $0xD;
	s9 =	sor.u32 $0x20, s3;
	s3 =	sor.u32 $0x40, s3  }
0xc: {  	s31 =	sshrl.u32 s0, $0x1;
	s6 =	sadd.s32 s5, s6;
	s8 =	sadd.s32 s7, s18  }
0xd: {  	s19 =	sshll.u32 s9, $0x7;
	s21 =	sshll.u32 s9, $0xD;
	s26 =	sshll.u32 s3, $0x7  }
0xe: {  	s3 =	sshll.u32 s3, $0xD;
	s0 =	ssub.s32 s0, s31;
	[dreg:$0x3] =	wrdreg s6  }
0xf: {  	s9 =	simm.s32 $0x1;
	[dreg:$0x4] =	wrdreg s8;
	s6 =	sadd.s32 s18, s1  }
0x10: {  	s20 =	sadd.s32 s5, s19;
	s22 =	sadd.s32 s7, s21;
	s25 =	sadd.s32 s21, s1  }
0x11: {  	s5 =	sadd.s32 s5, s26;
	s0 =	smax.u32 s0, $0x1;
	[dreg:$0x5] =	wrdreg s6  }
0x12: {  	s28 =	sadd.s32 s7, s3;
	[dreg:$0x6] =	wrdreg s20;
	s29 =	sadd.s32 $0xFFFFFFFF, s0  }
0x13: {  	s1 =	sadd.s32 s3, s1;
	[dreg:$0x7] =	wrdreg s22;
	p2 =	sne.s32 s29, $0x0  }
.Ltmp0:
0x14: {  	s3 =	simm.s32 $0x2;
	[dreg:$0x8] =	wrdreg s25;
	(pc) =	sbr.rel @!p2 .LBB2_1-.Ltmp0, $4  }
0x15: {  	s7 =	simm.s32 $0x8400;
	s18 =	simm.s32 $0x300;
	[dreg:$0x9] =	wrdreg s5  }
0x16: {  	s19 =	simm.s32 $0xC400;
	s21 =	simm.s32 $0xE400;
	[dreg:$0xa] =	wrdreg s28  }
0x17: {  	s8 =	simm.s32 $0x40;
	[dreg:$0xb] =	wrdreg s1;
	s5 =	simm.s32 $0x80  }
0x18: {  	s6 =	simm.s32 $0x400;
	s20 =	simm.s32 $0x380;
	s30 =	rddreg [dreg:$0x3]  }
0x19: {  	[tilespmem:s4], [sflag:$0x2] =	stream.linear.gather [hbm4b:s30+s4], $0x400, $0x38;
	[tilespmem:$0x10400] =	vst v63  }
0x1a: {  	_ =	swait.ge [sflag:s3], $0x400  }
0x1b: {  	[sflag:s3] =	ssyncset.done $0x0  }
0x1c: {  	[sflag:s3] =	ssyncadd.s32 $0xFFFFFC00  }
0x1d: {  	[tilespmem:s6], [sflag:$0x1] =	stream.indirect.gather [hbm4b:s2+s5], $0x40, s4, s5, $0xb8;
	[tilespmem:$0x10400] =	vst v63  }
0x1e: {  	_ = 	snop  }
0x1f: {  	[tilespmem:s10], [sflag:$0x1] =	stream.indirect.gather [hbm4b:s2+s5], $0x40, s5, s5, $0xb8;
	[tilespmem:$0x10400] =	vst v63  }
0x20: {  	_ = 	snop  }
0x21: {  	[tilespmem:s12], [sflag:$0x1] =	stream.indirect.gather [hbm4b:s2+s5], $0x40, s11, s5, $0xb8;
	[tilespmem:$0x10400] =	vst v63  }
0x22: {  	_ = 	snop  }
0x23: {  	[tilespmem:s14], [sflag:$0x1] =	stream.indirect.gather [hbm4b:s2+s5], $0x40, s13, s5, $0xb8;
	[tilespmem:$0x10400] =	vst v63  }
0x24: {  	_ = 	snop  }
0x25: {  	[tilespmem:s7], [sflag:$0x1] =	stream.indirect.gather [hbm4b:s2+s5], $0x40, s15, s5, $0xb8;
	[tilespmem:$0x10400] =	vst v63  }
0x26: {  	_ = 	snop  }
0x27: {  	[tilespmem:s17], [sflag:$0x1] =	stream.indirect.gather [hbm4b:s2+s5], $0x40, s16, s5, $0xb8;
	[tilespmem:$0x10400] =	vst v63  }
0x28: {  	_ = 	snop  }
0x29: {  	[tilespmem:s19], [sflag:$0x1] =	stream.indirect.gather [hbm4b:s2+s5], $0x40, s18, s5, $0xb8;
	[tilespmem:$0x10400] =	vst v63  }
0x2a: {  	_ = 	snop  }
0x2b: {  	[tilespmem:s21], [sflag:$0x1] =	stream.indirect.gather [hbm4b:s2+s5], $0x40, s20, s5, $0xb8;
	[tilespmem:$0x10400] =	vst v63  }
0x2c: {  	_ =	swait.ge [sflag:s9], $0x2000  }
0x2d: {  	[sflag:s9] =	ssyncset.done $0x0  }
0x2e: {  	[sflag:s9] =	ssyncadd.s32 $0xFFFFE000  }
0x2f: {  	_ =	swait.ge [sflag:s9], $0x2000  }
0x30: {  	[sflag:s9] =	ssyncset.done $0x0  }
0x31: {  	[sflag:s9] =	ssyncadd.s32 $0xFFFFE000  }
0x32: {  	_ =	swait.ge [sflag:s9], $0x2000  }
0x33: {  	[sflag:s9] =	ssyncset.done $0x0  }
0x34: {  	[sflag:s9] =	ssyncadd.s32 $0xFFFFE000  }
0x35: {  	_ =	swait.ge [sflag:s9], $0x2000  }
0x36: {  	[sflag:s9] =	ssyncset.done $0x0  }
0x37: {  	[sflag:s9] =	ssyncadd.s32 $0xFFFFE000  }
0x38: {  	_ =	swait.ge [sflag:s9], $0x2000  }
0x39: {  	[sflag:s9] =	ssyncset.done $0x0  }
0x3a: {  	[sflag:s9] =	ssyncadd.s32 $0xFFFFE000  }
0x3b: {  	_ =	swait.ge [sflag:s9], $0x2000  }
0x3c: {  	[sflag:s9] =	ssyncset.done $0x0  }
0x3d: {  	[sflag:s9] =	ssyncadd.s32 $0xFFFFE000  }
0x3e: {  	_ =	swait.ge [sflag:s9], $0x2000  }
0x3f: {  	[sflag:s9] =	ssyncset.done $0x0  }
0x40: {  	[sflag:s9] =	ssyncadd.s32 $0xFFFFE000  }
0x41: {  	_ =	swait.ge [sflag:s9], $0x2000  }
0x42: {  	[sflag:s9] =	ssyncset.done $0x0  }
0x43: {  	s0 =	rddreg [dreg:$0x4];
	[sflag:s9] =	ssyncadd.s32 $0xFFFFE000  }
0x44: {  	[hbm4b:s0+s8] =	stream.strided.scatter [tilespmem:s6], [sflag:$0x2], $0x8000, s5, s8, $0x38;
	[tilespmem:$0x10400] =	vst v63  }
0x45: {  	_ =	swait.ge [sflag:s3], $0x8000  }
0x46: {  	[sflag:s3] =	ssyncset.done $0x0  }
0x47: {  	s24 =	rddreg [dreg:$0x5];
	[sflag:s3] =	ssyncadd.s32 $0xFFFF8000  }
0x48: {  	[hbm4b:s24+s8] =	stream.strided.scatter [tilespmem:s7], [sflag:$0x2], $0x8000, s5, s8, $0x38;
	[tilespmem:$0x10400] =	vst v63  }
0x49: {  	_ =	swait.ge [sflag:s3], $0x8000  }
0x4a: {  	[sflag:s3] =	ssyncset.done $0x0  }
0x4b: {  	s25 =	rddreg [dreg:$0x6];
	[sflag:s3] =	ssyncadd.s32 $0xFFFF8000  }
0x4c: {  	[tilespmem:s4], [sflag:$0x2] =	stream.linear.gather [hbm4b:s25+s4], $0x400, $0x38;
	[tilespmem:$0x10400] =	vst v63  }
0x4d: {  	_ =	swait.ge [sflag:s3], $0x400  }
0x4e: {  	[sflag:s3] =	ssyncset.done $0x0  }
0x4f: {  	[sflag:s3] =	ssyncadd.s32 $0xFFFFFC00  }
0x50: {  	[tilespmem:s6], [sflag:$0x1] =	stream.indirect.gather [hbm4b:s2+s5], $0x40, s4, s5, $0xb8;
	[tilespmem:$0x10400] =	vst v63  }
0x51: {  	_ = 	snop  }
0x52: {  	[tilespmem:s10], [sflag:$0x1] =	stream.indirect.gather [hbm4b:s2+s5], $0x40, s5, s5, $0xb8;
	[tilespmem:$0x10400] =	vst v63  }
0x53: {  	_ = 	snop  }
0x54: {  	[tilespmem:s12], [sflag:$0x1] =	stream.indirect.gather [hbm4b:s2+s5], $0x40, s11, s5, $0xb8;
	[tilespmem:$0x10400] =	vst v63  }
0x55: {  	_ = 	snop  }
0x56: {  	[tilespmem:s14], [sflag:$0x1] =	stream.indirect.gather [hbm4b:s2+s5], $0x40, s13, s5, $0xb8;
	[tilespmem:$0x10400] =	vst v63  }
0x57: {  	_ = 	snop  }
0x58: {  	[tilespmem:s7], [sflag:$0x1] =	stream.indirect.gather [hbm4b:s2+s5], $0x40, s15, s5, $0xb8;
	[tilespmem:$0x10400] =	vst v63  }
0x59: {  	_ = 	snop  }
0x5a: {  	[tilespmem:s17], [sflag:$0x1] =	stream.indirect.gather [hbm4b:s2+s5], $0x40, s16, s5, $0xb8;
	[tilespmem:$0x10400] =	vst v63  }
0x5b: {  	_ = 	snop  }
0x5c: {  	[tilespmem:s19], [sflag:$0x1] =	stream.indirect.gather [hbm4b:s2+s5], $0x40, s18, s5, $0xb8;
	[tilespmem:$0x10400] =	vst v63  }
0x5d: {  	_ = 	snop  }
0x5e: {  	[tilespmem:s21], [sflag:$0x1] =	stream.indirect.gather [hbm4b:s2+s5], $0x40, s20, s5, $0xb8;
	[tilespmem:$0x10400] =	vst v63  }
0x5f: {  	_ =	swait.ge [sflag:s9], $0x2000  }
0x60: {  	[sflag:s9] =	ssyncset.done $0x0  }
0x61: {  	[sflag:s9] =	ssyncadd.s32 $0xFFFFE000  }
0x62: {  	_ =	swait.ge [sflag:s9], $0x2000  }
0x63: {  	[sflag:s9] =	ssyncset.done $0x0  }
0x64: {  	[sflag:s9] =	ssyncadd.s32 $0xFFFFE000  }
0x65: {  	_ =	swait.ge [sflag:s9], $0x2000  }
0x66: {  	[sflag:s9] =	ssyncset.done $0x0  }
0x67: {  	[sflag:s9] =	ssyncadd.s32 $0xFFFFE000  }
0x68: {  	_ =	swait.ge [sflag:s9], $0x2000  }
0x69: {  	[sflag:s9] =	ssyncset.done $0x0  }
0x6a: {  	[sflag:s9] =	ssyncadd.s32 $0xFFFFE000  }
0x6b: {  	_ =	swait.ge [sflag:s9], $0x2000  }
0x6c: {  	[sflag:s9] =	ssyncset.done $0x0  }
0x6d: {  	[sflag:s9] =	ssyncadd.s32 $0xFFFFE000  }
0x6e: {  	_ =	swait.ge [sflag:s9], $0x2000  }
0x6f: {  	[sflag:s9] =	ssyncset.done $0x0  }
0x70: {  	[sflag:s9] =	ssyncadd.s32 $0xFFFFE000  }
0x71: {  	_ =	swait.ge [sflag:s9], $0x2000  }
0x72: {  	[sflag:s9] =	ssyncset.done $0x0  }
0x73: {  	[sflag:s9] =	ssyncadd.s32 $0xFFFFE000  }
0x74: {  	_ =	swait.ge [sflag:s9], $0x2000  }
0x75: {  	[sflag:s9] =	ssyncset.done $0x0  }
0x76: {  	s26 =	rddreg [dreg:$0x7];
	[sflag:s9] =	ssyncadd.s32 $0xFFFFE000  }
0x77: {  	[hbm4b:s26+s8] =	stream.strided.scatter [tilespmem:s6], [sflag:$0x2], $0x8000, s5, s8, $0x38;
	[tilespmem:$0x10400] =	vst v63  }
0x78: {  	_ =	swait.ge [sflag:s3], $0x8000  }
0x79: {  	[sflag:s3] =	ssyncset.done $0x0  }
0x7a: {  	s31 =	rddreg [dreg:$0x8];
	[sflag:s3] =	ssyncadd.s32 $0xFFFF8000  }
0x7b: {  	[hbm4b:s31+s8] =	stream.strided.scatter [tilespmem:s7], [sflag:$0x2], $0x8000, s5, s8, $0x38;
	[tilespmem:$0x10400] =	vst v63  }
0x7c: {  	_ =	swait.ge [sflag:s3], $0x8000  }
0x7d: {  	s23 =	simm.s32 @!p0 $0x0;
	[sflag:s3] =	ssyncset.done $0x0  }
0x7e: {  	s22 =	simm.s32 @!p0 $0x2;
	s0 =	rddreg [dreg:$0x9];
	[sflag:s3] =	ssyncadd.s32 $0xFFFF8000  }
0x7f: {  	[tilespmem:s23], [sflag:$0x2] =	stream.linear.gather @!p0 [hbm4b:s0+s23], $0x400, $0x38;
	[tilespmem:$0x10400] =	vst v63  }
0x80: {  	_ =	swait.ge @!p0 [sflag:s22], $0x400  }
0x81: {  	[sflag:s22] =	ssyncset.done @!p0 $0x0  }
0x82: {  	s24 =	simm.s32 @!p0 $0x80;
	s25 =	simm.s32 @!p0 $0x400;
	[sflag:s22] =	ssyncadd.s32 @!p0 $0xFFFFFC00  }
0x83: {  	[tilespmem:s25], [sflag:$0x1] =	stream.indirect.gather @!p0 [hbm4b:s2+s24], $0x40, s23, s24, $0xb8;
	[tilespmem:$0x10400] =	vst v63  }
0x84: {  	s0 =	simm.s32 @!p0 $0x2400  }
0x85: {  	[tilespmem:s0], [sflag:$0x1] =	stream.indirect.gather @!p0 [hbm4b:s2+s24], $0x40, s24, s24, $0xb8;
	[tilespmem:$0x10400] =	vst v63  }
0x86: {  	s1 =	simm.s32 @!p0 $0x4400;
	s0 =	simm.s32 @!p0 $0x100  }
0x87: {  	[tilespmem:s1], [sflag:$0x1] =	stream.indirect.gather @!p0 [hbm4b:s2+s24], $0x40, s0, s24, $0xb8;
	[tilespmem:$0x10400] =	vst v63  }
0x88: {  	s0 =	simm.s32 @!p0 $0x180;
	s1 =	simm.s32 @!p0 $0x6400  }
0x89: {  	[tilespmem:s1], [sflag:$0x1] =	stream.indirect.gather @!p0 [hbm4b:s2+s24], $0x40, s0, s24, $0xb8;
	[tilespmem:$0x10400] =	vst v63  }
0x8a: {  	s1 =	simm.s32 @!p0 $0x200;
	s0 =	simm.s32 @!p0 $0x8400  }
0x8b: {  	[tilespmem:s0], [sflag:$0x1] =	stream.indirect.gather @!p0 [hbm4b:s2+s24], $0x40, s1, s24, $0xb8;
	[tilespmem:$0x10400] =	vst v63  }
0x8c: {  	s26 =	simm.s32 @!p0 $0xA400;
	s1 =	simm.s32 @!p0 $0x280  }
0x8d: {  	[tilespmem:s26], [sflag:$0x1] =	stream.indirect.gather @!p0 [hbm4b:s2+s24], $0x40, s1, s24, $0xb8;
	[tilespmem:$0x10400] =	vst v63  }
0x8e: {  	s1 =	simm.s32 @!p0 $0x300;
	s26 =	simm.s32 @!p0 $0xC400  }
0x8f: {  	[tilespmem:s26], [sflag:$0x1] =	stream.indirect.gather @!p0 [hbm4b:s2+s24], $0x40, s1, s24, $0xb8;
	[tilespmem:$0x10400] =	vst v63  }
0x90: {  	s28 =	simm.s32 @!p0 $0x380;
	s30 =	simm.s32 @!p0 $0xE400;
	s26 =	simm.s32 @!p0 $0x1  }
0x91: {  	[tilespmem:s30], [sflag:$0x1] =	stream.indirect.gather @!p0 [hbm4b:s2+s24], $0x40, s28, s24, $0xb8;
	[tilespmem:$0x10400] =	vst v63  }
0x92: {  	_ =	swait.ge @!p0 [sflag:s26], $0x2000  }
0x93: {  	[sflag:s26] =	ssyncset.done @!p0 $0x0  }
0x94: {  	[sflag:s26] =	ssyncadd.s32 @!p0 $0xFFFFE000  }
0x95: {  	_ =	swait.ge @!p0 [sflag:s26], $0x2000  }
0x96: {  	[sflag:s26] =	ssyncset.done @!p0 $0x0  }
0x97: {  	[sflag:s26] =	ssyncadd.s32 @!p0 $0xFFFFE000  }
0x98: {  	_ =	swait.ge @!p0 [sflag:s26], $0x2000  }
0x99: {  	[sflag:s26] =	ssyncset.done @!p0 $0x0  }
0x9a: {  	[sflag:s26] =	ssyncadd.s32 @!p0 $0xFFFFE000  }
0x9b: {  	_ =	swait.ge @!p0 [sflag:s26], $0x2000  }
0x9c: {  	[sflag:s26] =	ssyncset.done @!p0 $0x0  }
0x9d: {  	[sflag:s26] =	ssyncadd.s32 @!p0 $0xFFFFE000  }
0x9e: {  	_ =	swait.ge @!p0 [sflag:s26], $0x2000  }
0x9f: {  	[sflag:s26] =	ssyncset.done @!p0 $0x0  }
0xa0: {  	[sflag:s26] =	ssyncadd.s32 @!p0 $0xFFFFE000  }
0xa1: {  	_ =	swait.ge @!p0 [sflag:s26], $0x2000  }
0xa2: {  	[sflag:s26] =	ssyncset.done @!p0 $0x0  }
0xa3: {  	[sflag:s26] =	ssyncadd.s32 @!p0 $0xFFFFE000  }
0xa4: {  	_ =	swait.ge @!p0 [sflag:s26], $0x2000  }
0xa5: {  	[sflag:s26] =	ssyncset.done @!p0 $0x0  }
0xa6: {  	[sflag:s26] =	ssyncadd.s32 @!p0 $0xFFFFE000  }
0xa7: {  	_ =	swait.ge @!p0 [sflag:s26], $0x2000  }
0xa8: {  	s29 =	sadd.s32 $0xFFFFFFFF, s29;
	[sflag:s26] =	ssyncset.done @!p0 $0x0  }
0xa9: {  	s28 =	simm.s32 @!p0 $0x40;
	s30 =	rddreg [dreg:$0xa];
	[sflag:s26] =	ssyncadd.s32 @!p0 $0xFFFFE000  }
0xaa: {  	[hbm4b:s30+s28] =	stream.strided.scatter @!p0 [tilespmem:s25], [sflag:$0x2], $0x8000, s24, s28, $0x38;
	[tilespmem:$0x10400] =	vst v63  }
0xab: {  	p2 =	sne.s32 s29, $0x0;
	_ =	swait.ge @!p0 [sflag:s22], $0x8000  }
.Ltmp1:
0xac: {  	[sflag:s22] =	ssyncset.done @!p0 $0x0;
	(pc) =	sbr.rel @!p2 .LBB2_3-.Ltmp1, $4  }
0xad: {  	s30 =	rddreg [dreg:$0xb];
	[sflag:s22] =	ssyncadd.s32 @!p0 $0xFFFF8000  }
0xae: {  	[hbm4b:s30+s28] =	stream.strided.scatter @!p0 [tilespmem:s0], [sflag:$0x2], $0x8000, s24, s28, $0x38;
	[tilespmem:$0x10400] =	vst v63  }
0xaf: {  	p1 =	por $0x1, $0x1;
	_ =	swait.ge @!p0 [sflag:s22], $0x8000  }
0xb0: {  	s1 =	simm.s32 @!p0 $0xE400;
	s30 =	rddreg [dreg:$0x3];
	[sflag:s22] =	ssyncset.done @!p0 $0x0  }
.LBB2_4:
0xb1: {  	[sflag:s22] =	ssyncadd.s32 @!p0 $0xFFFF8000  }
0xb2: {  	[tilespmem:s4], [sflag:$0x2] =	stream.linear.gather [hbm4b:s30+s4], $0x400, $0x38;
	[tilespmem:$0x10400] =	vst v63  }
0xb3: {  	_ =	swait.ge [sflag:s3], $0x400  }
0xb4: {  	[sflag:s3] =	ssyncset.done $0x0  }
0xb5: {  	[sflag:s3] =	ssyncadd.s32 $0xFFFFFC00  }
0xb6: {  	[tilespmem:s6], [sflag:$0x1] =	stream.indirect.gather [hbm4b:s2+s5], $0x40, s4, s5, $0xb8;
	[tilespmem:$0x10400] =	vst v63  }
0xb7: {  	_ = 	snop  }
0xb8: {  	[tilespmem:s10], [sflag:$0x1] =	stream.indirect.gather [hbm4b:s2+s5], $0x40, s5, s5, $0xb8;
	[tilespmem:$0x10400] =	vst v63  }
0xb9: {  	_ = 	snop  }
0xba: {  	[tilespmem:s12], [sflag:$0x1] =	stream.indirect.gather [hbm4b:s2+s5], $0x40, s11, s5, $0xb8;
	[tilespmem:$0x10400] =	vst v63  }
0xbb: {  	_ = 	snop  }
0xbc: {  	[tilespmem:s14], [sflag:$0x1] =	stream.indirect.gather [hbm4b:s2+s5], $0x40, s13, s5, $0xb8;
	[tilespmem:$0x10400] =	vst v63  }
0xbd: {  	_ = 	snop  }
0xbe: {  	[tilespmem:s7], [sflag:$0x1] =	stream.indirect.gather [hbm4b:s2+s5], $0x40, s15, s5, $0xb8;
	[tilespmem:$0x10400] =	vst v63  }
0xbf: {  	_ = 	snop  }
0xc0: {  	[tilespmem:s17], [sflag:$0x1] =	stream.indirect.gather [hbm4b:s2+s5], $0x40, s16, s5, $0xb8;
	[tilespmem:$0x10400] =	vst v63  }
0xc1: {  	_ = 	snop  }
0xc2: {  	[tilespmem:s19], [sflag:$0x1] =	stream.indirect.gather [hbm4b:s2+s5], $0x40, s18, s5, $0xb8;
	[tilespmem:$0x10400] =	vst v63  }
0xc3: {  	_ = 	snop  }
0xc4: {  	[tilespmem:s21], [sflag:$0x1] =	stream.indirect.gather [hbm4b:s2+s5], $0x40, s20, s5, $0xb8;
	[tilespmem:$0x10400] =	vst v63  }
0xc5: {  	_ =	swait.ge [sflag:s9], $0x2000  }
0xc6: {  	[sflag:s9] =	ssyncset.done $0x0  }
0xc7: {  	[sflag:s9] =	ssyncadd.s32 $0xFFFFE000  }
0xc8: {  	_ =	swait.ge [sflag:s9], $0x2000  }
0xc9: {  	[sflag:s9] =	ssyncset.done $0x0  }
0xca: {  	[sflag:s9] =	ssyncadd.s32 $0xFFFFE000  }
0xcb: {  	_ =	swait.ge [sflag:s9], $0x2000  }
0xcc: {  	[sflag:s9] =	ssyncset.done $0x0  }
0xcd: {  	[sflag:s9] =	ssyncadd.s32 $0xFFFFE000  }
0xce: {  	_ =	swait.ge [sflag:s9], $0x2000  }
0xcf: {  	[sflag:s9] =	ssyncset.done $0x0  }
0xd0: {  	[sflag:s9] =	ssyncadd.s32 $0xFFFFE000  }
0xd1: {  	_ =	swait.ge [sflag:s9], $0x2000  }
0xd2: {  	[sflag:s9] =	ssyncset.done $0x0  }
0xd3: {  	[sflag:s9] =	ssyncadd.s32 $0xFFFFE000  }
0xd4: {  	_ =	swait.ge [sflag:s9], $0x2000  }
0xd5: {  	[sflag:s9] =	ssyncset.done $0x0  }
0xd6: {  	[sflag:s9] =	ssyncadd.s32 $0xFFFFE000  }
0xd7: {  	_ =	swait.ge [sflag:s9], $0x2000  }
0xd8: {  	[sflag:s9] =	ssyncset.done $0x0  }
0xd9: {  	[sflag:s9] =	ssyncadd.s32 $0xFFFFE000  }
0xda: {  	_ =	swait.ge [sflag:s9], $0x2000  }
0xdb: {  	[sflag:s9] =	ssyncset.done $0x0  }
0xdc: {  	s30 =	rddreg [dreg:$0x4];
	[sflag:s9] =	ssyncadd.s32 $0xFFFFE000  }
0xdd: {  	[hbm4b:s30+s8] =	stream.strided.scatter [tilespmem:s6], [sflag:$0x2], $0x8000, s5, s8, $0x38;
	[tilespmem:$0x10400] =	vst v63  }
0xde: {  	_ =	swait.ge [sflag:s3], $0x8000  }
0xdf: {  	[sflag:s3] =	ssyncset.done $0x0  }
0xe0: {  	s30 =	rddreg [dreg:$0x5];
	[sflag:s3] =	ssyncadd.s32 $0xFFFF8000  }
0xe1: {  	[hbm4b:s30+s8] =	stream.strided.scatter [tilespmem:s7], [sflag:$0x2], $0x8000, s5, s8, $0x38;
	[tilespmem:$0x10400] =	vst v63  }
0xe2: {  	_ =	swait.ge [sflag:s3], $0x8000  }
0xe3: {  	[sflag:s3] =	ssyncset.done $0x0  }
0xe4: {  	s30 =	rddreg [dreg:$0x6];
	[sflag:s3] =	ssyncadd.s32 $0xFFFF8000  }
0xe5: {  	[tilespmem:s4], [sflag:$0x2] =	stream.linear.gather [hbm4b:s30+s4], $0x400, $0x38;
	[tilespmem:$0x10400] =	vst v63  }
0xe6: {  	_ =	swait.ge [sflag:s3], $0x400  }
0xe7: {  	[sflag:s3] =	ssyncset.done $0x0  }
0xe8: {  	[sflag:s3] =	ssyncadd.s32 $0xFFFFFC00  }
0xe9: {  	[tilespmem:s6], [sflag:$0x1] =	stream.indirect.gather [hbm4b:s2+s5], $0x40, s4, s5, $0xb8;
	[tilespmem:$0x10400] =	vst v63  }
0xea: {  	_ = 	snop  }
0xeb: {  	[tilespmem:s10], [sflag:$0x1] =	stream.indirect.gather [hbm4b:s2+s5], $0x40, s5, s5, $0xb8;
	[tilespmem:$0x10400] =	vst v63  }
0xec: {  	_ = 	snop  }
0xed: {  	[tilespmem:s12], [sflag:$0x1] =	stream.indirect.gather [hbm4b:s2+s5], $0x40, s11, s5, $0xb8;
	[tilespmem:$0x10400] =	vst v63  }
0xee: {  	_ = 	snop  }
0xef: {  	[tilespmem:s14], [sflag:$0x1] =	stream.indirect.gather [hbm4b:s2+s5], $0x40, s13, s5, $0xb8;
	[tilespmem:$0x10400] =	vst v63  }
0xf0: {  	_ = 	snop  }
0xf1: {  	[tilespmem:s7], [sflag:$0x1] =	stream.indirect.gather [hbm4b:s2+s5], $0x40, s15, s5, $0xb8;
	[tilespmem:$0x10400] =	vst v63  }
0xf2: {  	_ = 	snop  }
0xf3: {  	[tilespmem:s17], [sflag:$0x1] =	stream.indirect.gather [hbm4b:s2+s5], $0x40, s16, s5, $0xb8;
	[tilespmem:$0x10400] =	vst v63  }
0xf4: {  	_ = 	snop  }
0xf5: {  	[tilespmem:s19], [sflag:$0x1] =	stream.indirect.gather [hbm4b:s2+s5], $0x40, s18, s5, $0xb8;
	[tilespmem:$0x10400] =	vst v63  }
0xf6: {  	_ = 	snop  }
0xf7: {  	[tilespmem:s21], [sflag:$0x1] =	stream.indirect.gather [hbm4b:s2+s5], $0x40, s20, s5, $0xb8;
	[tilespmem:$0x10400] =	vst v63  }
0xf8: {  	_ =	swait.ge [sflag:s9], $0x2000  }
0xf9: {  	[sflag:s9] =	ssyncset.done $0x0  }
0xfa: {  	[sflag:s9] =	ssyncadd.s32 $0xFFFFE000  }
0xfb: {  	_ =	swait.ge [sflag:s9], $0x2000  }
0xfc: {  	[sflag:s9] =	ssyncset.done $0x0  }
0xfd: {  	[sflag:s9] =	ssyncadd.s32 $0xFFFFE000  }
0xfe: {  	_ =	swait.ge [sflag:s9], $0x2000  }
0xff: {  	[sflag:s9] =	ssyncset.done $0x0  }
0x100: {  	[sflag:s9] =	ssyncadd.s32 $0xFFFFE000  }
0x101: {  	_ =	swait.ge [sflag:s9], $0x2000  }
0x102: {  	[sflag:s9] =	ssyncset.done $0x0  }
0x103: {  	[sflag:s9] =	ssyncadd.s32 $0xFFFFE000  }
0x104: {  	_ =	swait.ge [sflag:s9], $0x2000  }
0x105: {  	[sflag:s9] =	ssyncset.done $0x0  }
0x106: {  	[sflag:s9] =	ssyncadd.s32 $0xFFFFE000  }
0x107: {  	_ =	swait.ge [sflag:s9], $0x2000  }
0x108: {  	[sflag:s9] =	ssyncset.done $0x0  }
0x109: {  	[sflag:s9] =	ssyncadd.s32 $0xFFFFE000  }
0x10a: {  	_ =	swait.ge [sflag:s9], $0x2000  }
0x10b: {  	[sflag:s9] =	ssyncset.done $0x0  }
0x10c: {  	[sflag:s9] =	ssyncadd.s32 $0xFFFFE000  }
0x10d: {  	_ =	swait.ge [sflag:s9], $0x2000  }
0x10e: {  	[sflag:s9] =	ssyncset.done $0x0  }
0x10f: {  	s30 =	rddreg [dreg:$0x7];
	[sflag:s9] =	ssyncadd.s32 $0xFFFFE000  }
0x110: {  	[hbm4b:s30+s8] =	stream.strided.scatter [tilespmem:s6], [sflag:$0x2], $0x8000, s5, s8, $0x38;
	[tilespmem:$0x10400] =	vst v63  }
0x111: {  	_ =	swait.ge [sflag:s3], $0x8000  }
0x112: {  	[sflag:s3] =	ssyncset.done $0x0  }
0x113: {  	s30 =	rddreg [dreg:$0x8];
	[sflag:s3] =	ssyncadd.s32 $0xFFFF8000  }
0x114: {  	[hbm4b:s30+s8] =	stream.strided.scatter [tilespmem:s7], [sflag:$0x2], $0x8000, s5, s8, $0x38;
	[tilespmem:$0x10400] =	vst v63  }
0x115: {  	_ =	swait.ge [sflag:s3], $0x8000  }
0x116: {  	[sflag:s3] =	ssyncset.done $0x0  }
0x117: {  	s30 =	rddreg [dreg:$0x9];
	[sflag:s3] =	ssyncadd.s32 $0xFFFF8000  }
0x118: {  	[tilespmem:s23], [sflag:$0x2] =	stream.linear.gather @!p0 [hbm4b:s30+s23], $0x400, $0x38;
	[tilespmem:$0x10400] =	vst v63  }
0x119: {  	_ =	swait.ge @!p0 [sflag:s22], $0x400  }
0x11a: {  	[sflag:s22] =	ssyncset.done @!p0 $0x0  }
0x11b: {  	[sflag:s22] =	ssyncadd.s32 @!p0 $0xFFFFFC00  }
0x11c: {  	[tilespmem:s25], [sflag:$0x1] =	stream.indirect.gather @!p0 [hbm4b:s2+s24], $0x40, s23, s24, $0xb8;
	[tilespmem:$0x10400] =	vst v63  }
0x11d: {  	s30 =	simm.s32 @!p0 $0x2400  }
0x11e: {  	[tilespmem:s30], [sflag:$0x1] =	stream.indirect.gather @!p0 [hbm4b:s2+s24], $0x40, s24, s24, $0xb8;
	[tilespmem:$0x10400] =	vst v63  }
0x11f: {  	s31 =	simm.s32 @!p0 $0x4400;
	s30 =	simm.s32 @!p0 $0x100  }
0x120: {  	[tilespmem:s31], [sflag:$0x1] =	stream.indirect.gather @!p0 [hbm4b:s2+s24], $0x40, s30, s24, $0xb8;
	[tilespmem:$0x10400] =	vst v63  }
0x121: {  	s30 =	simm.s32 @!p0 $0x180;
	s31 =	simm.s32 @!p0 $0x6400  }
0x122: {  	[tilespmem:s31], [sflag:$0x1] =	stream.indirect.gather @!p0 [hbm4b:s2+s24], $0x40, s30, s24, $0xb8;
	[tilespmem:$0x10400] =	vst v63  }
0x123: {  	s30 =	simm.s32 @!p0 $0x200  }
0x124: {  	[tilespmem:s0], [sflag:$0x1] =	stream.indirect.gather @!p0 [hbm4b:s2+s24], $0x40, s30, s24, $0xb8;
	[tilespmem:$0x10400] =	vst v63  }
0x125: {  	s31 =	simm.s32 @!p0 $0xA400;
	s30 =	simm.s32 @!p0 $0x280  }
0x126: {  	[tilespmem:s31], [sflag:$0x1] =	stream.indirect.gather @!p0 [hbm4b:s2+s24], $0x40, s30, s24, $0xb8;
	[tilespmem:$0x10400] =	vst v63  }
0x127: {  	s30 =	simm.s32 @!p0 $0x300;
	s31 =	simm.s32 @!p0 $0xC400  }
0x128: {  	[tilespmem:s31], [sflag:$0x1] =	stream.indirect.gather @!p0 [hbm4b:s2+s24], $0x40, s30, s24, $0xb8;
	[tilespmem:$0x10400] =	vst v63  }
0x129: {  	s30 =	simm.s32 @!p0 $0x380  }
0x12a: {  	[tilespmem:s1], [sflag:$0x1] =	stream.indirect.gather @!p0 [hbm4b:s2+s24], $0x40, s30, s24, $0xb8;
	[tilespmem:$0x10400] =	vst v63  }
0x12b: {  	_ =	swait.ge @!p0 [sflag:s26], $0x2000  }
0x12c: {  	[sflag:s26] =	ssyncset.done @!p0 $0x0  }
0x12d: {  	[sflag:s26] =	ssyncadd.s32 @!p0 $0xFFFFE000  }
0x12e: {  	_ =	swait.ge @!p0 [sflag:s26], $0x2000  }
0x12f: {  	[sflag:s26] =	ssyncset.done @!p0 $0x0  }
0x130: {  	[sflag:s26] =	ssyncadd.s32 @!p0 $0xFFFFE000  }
0x131: {  	_ =	swait.ge @!p0 [sflag:s26], $0x2000  }
0x132: {  	[sflag:s26] =	ssyncset.done @!p0 $0x0  }
0x133: {  	[sflag:s26] =	ssyncadd.s32 @!p0 $0xFFFFE000  }
0x134: {  	_ =	swait.ge @!p0 [sflag:s26], $0x2000  }
0x135: {  	[sflag:s26] =	ssyncset.done @!p0 $0x0  }
0x136: {  	[sflag:s26] =	ssyncadd.s32 @!p0 $0xFFFFE000  }
0x137: {  	_ =	swait.ge @!p0 [sflag:s26], $0x2000  }
0x138: {  	[sflag:s26] =	ssyncset.done @!p0 $0x0  }
0x139: {  	[sflag:s26] =	ssyncadd.s32 @!p0 $0xFFFFE000  }
0x13a: {  	_ =	swait.ge @!p0 [sflag:s26], $0x2000  }
0x13b: {  	[sflag:s26] =	ssyncset.done @!p0 $0x0  }
0x13c: {  	[sflag:s26] =	ssyncadd.s32 @!p0 $0xFFFFE000  }
0x13d: {  	_ =	swait.ge @!p0 [sflag:s26], $0x2000  }
0x13e: {  	[sflag:s26] =	ssyncset.done @!p0 $0x0  }
0x13f: {  	[sflag:s26] =	ssyncadd.s32 @!p0 $0xFFFFE000  }
0x140: {  	_ =	swait.ge @!p0 [sflag:s26], $0x2000  }
0x141: {  	[sflag:s26] =	ssyncset.done @!p0 $0x0  }
0x142: {  	s29 =	sadd.s32 $0xFFFFFFFF, s29;
	s30 =	rddreg [dreg:$0xa];
	[sflag:s26] =	ssyncadd.s32 @!p0 $0xFFFFE000  }
0x143: {  	[hbm4b:s30+s28] =	stream.strided.scatter @!p0 [tilespmem:s25], [sflag:$0x2], $0x8000, s24, s28, $0x38;
	[tilespmem:$0x10400] =	vst v63  }
0x144: {  	p2 =	sne.s32 s29, $0x0;
	_ =	swait.ge @!p0 [sflag:s22], $0x8000  }
.Ltmp2:
0x145: {  	[sflag:s22] =	ssyncset.done @!p0 $0x0;
	(pc) =	sbr.rel @p2 .LBB2_4-.Ltmp2, $4  }
0x146: {  	s30 =	rddreg [dreg:$0xb];
	[sflag:s22] =	ssyncadd.s32 @!p0 $0xFFFF8000  }
0x147: {  	[hbm4b:s30+s28] =	stream.strided.scatter @!p0 [tilespmem:s0], [sflag:$0x2], $0x8000, s24, s28, $0x38;
	[tilespmem:$0x10400] =	vst v63  }
0x148: {  	_ =	swait.ge @!p0 [sflag:s22], $0x8000  }
0x149: {  	s30 =	rddreg [dreg:$0x3];
	[sflag:s22] =	ssyncset.done @!p0 $0x0  }
0x14a: {  	s23 =	stileid.u32;
	s24 =	rddreg [dreg:$0x2]  }
.LBB2_6:
0x14b: {  	p1 =	por p0, !p1  }
0x14c: {  	[sflag:s22] =	ssyncadd.s32 @!p1 $0xFFFF8000  }
0x14d: {  	[tilespmem:s4], [sflag:$0x2] =	stream.linear.gather [hbm4b:s30+s4], $0x400, $0x38;
	[tilespmem:$0x10400] =	vst v63  }
0x14e: {  	_ =	swait.ge [sflag:s3], $0x400  }
0x14f: {  	[sflag:s3] =	ssyncset.done $0x0  }
0x150: {  	[sflag:s3] =	ssyncadd.s32 $0xFFFFFC00  }
0x151: {  	[tilespmem:s6], [sflag:$0x1] =	stream.indirect.gather [hbm4b:s2+s5], $0x40, s4, s5, $0xb8;
	[tilespmem:$0x10400] =	vst v63  }
0x152: {  	_ = 	snop  }
0x153: {  	[tilespmem:s10], [sflag:$0x1] =	stream.indirect.gather [hbm4b:s2+s5], $0x40, s5, s5, $0xb8;
	[tilespmem:$0x10400] =	vst v63  }
0x154: {  	_ = 	snop  }
0x155: {  	[tilespmem:s12], [sflag:$0x1] =	stream.indirect.gather [hbm4b:s2+s5], $0x40, s11, s5, $0xb8;
	[tilespmem:$0x10400] =	vst v63  }
0x156: {  	_ = 	snop  }
0x157: {  	[tilespmem:s14], [sflag:$0x1] =	stream.indirect.gather [hbm4b:s2+s5], $0x40, s13, s5, $0xb8;
	[tilespmem:$0x10400] =	vst v63  }
0x158: {  	_ = 	snop  }
0x159: {  	[tilespmem:s7], [sflag:$0x1] =	stream.indirect.gather [hbm4b:s2+s5], $0x40, s15, s5, $0xb8;
	[tilespmem:$0x10400] =	vst v63  }
0x15a: {  	_ = 	snop  }
0x15b: {  	[tilespmem:s17], [sflag:$0x1] =	stream.indirect.gather [hbm4b:s2+s5], $0x40, s16, s5, $0xb8;
	[tilespmem:$0x10400] =	vst v63  }
0x15c: {  	_ = 	snop  }
0x15d: {  	[tilespmem:s19], [sflag:$0x1] =	stream.indirect.gather [hbm4b:s2+s5], $0x40, s18, s5, $0xb8;
	[tilespmem:$0x10400] =	vst v63  }
0x15e: {  	_ = 	snop  }
0x15f: {  	[tilespmem:s21], [sflag:$0x1] =	stream.indirect.gather [hbm4b:s2+s5], $0x40, s20, s5, $0xb8;
	[tilespmem:$0x10400] =	vst v63  }
0x160: {  	_ =	swait.ge [sflag:s9], $0x2000  }
0x161: {  	[sflag:s9] =	ssyncset.done $0x0  }
0x162: {  	[sflag:s9] =	ssyncadd.s32 $0xFFFFE000  }
0x163: {  	_ =	swait.ge [sflag:s9], $0x2000  }
0x164: {  	[sflag:s9] =	ssyncset.done $0x0  }
0x165: {  	[sflag:s9] =	ssyncadd.s32 $0xFFFFE000  }
0x166: {  	_ =	swait.ge [sflag:s9], $0x2000  }
0x167: {  	[sflag:s9] =	ssyncset.done $0x0  }
0x168: {  	[sflag:s9] =	ssyncadd.s32 $0xFFFFE000  }
0x169: {  	_ =	swait.ge [sflag:s9], $0x2000  }
0x16a: {  	[sflag:s9] =	ssyncset.done $0x0  }
0x16b: {  	[sflag:s9] =	ssyncadd.s32 $0xFFFFE000  }
0x16c: {  	_ =	swait.ge [sflag:s9], $0x2000  }
0x16d: {  	[sflag:s9] =	ssyncset.done $0x0  }
0x16e: {  	[sflag:s9] =	ssyncadd.s32 $0xFFFFE000  }
0x16f: {  	_ =	swait.ge [sflag:s9], $0x2000  }
0x170: {  	[sflag:s9] =	ssyncset.done $0x0  }
0x171: {  	[sflag:s9] =	ssyncadd.s32 $0xFFFFE000  }
0x172: {  	_ =	swait.ge [sflag:s9], $0x2000  }
0x173: {  	[sflag:s9] =	ssyncset.done $0x0  }
0x174: {  	[sflag:s9] =	ssyncadd.s32 $0xFFFFE000  }
0x175: {  	_ =	swait.ge [sflag:s9], $0x2000  }
0x176: {  	[sflag:s9] =	ssyncset.done $0x0  }
0x177: {  	s0 =	rddreg [dreg:$0x4];
	[sflag:s9] =	ssyncadd.s32 $0xFFFFE000  }
0x178: {  	[hbm4b:s0+s8] =	stream.strided.scatter [tilespmem:s6], [sflag:$0x2], $0x8000, s5, s8, $0x38;
	[tilespmem:$0x10400] =	vst v63  }
0x179: {  	_ =	swait.ge [sflag:s3], $0x8000  }
0x17a: {  	[sflag:s3] =	ssyncset.done $0x0  }
0x17b: {  	s28 =	rddreg [dreg:$0x5];
	[sflag:s3] =	ssyncadd.s32 $0xFFFF8000  }
0x17c: {  	[hbm4b:s28+s8] =	stream.strided.scatter [tilespmem:s7], [sflag:$0x2], $0x8000, s5, s8, $0x38;
	[tilespmem:$0x10400] =	vst v63  }
0x17d: {  	_ =	swait.ge [sflag:s3], $0x8000  }
0x17e: {  	[sflag:s3] =	ssyncset.done $0x0  }
0x17f: {  	s29 =	rddreg [dreg:$0x6];
	[sflag:s3] =	ssyncadd.s32 $0xFFFF8000  }
0x180: {  	[tilespmem:s4], [sflag:$0x2] =	stream.linear.gather [hbm4b:s29+s4], $0x400, $0x38;
	[tilespmem:$0x10400] =	vst v63  }
0x181: {  	_ =	swait.ge [sflag:s3], $0x400  }
0x182: {  	[sflag:s3] =	ssyncset.done $0x0  }
0x183: {  	[sflag:s3] =	ssyncadd.s32 $0xFFFFFC00  }
0x184: {  	[tilespmem:s6], [sflag:$0x1] =	stream.indirect.gather [hbm4b:s2+s5], $0x40, s4, s5, $0xb8;
	[tilespmem:$0x10400] =	vst v63  }
0x185: {  	_ = 	snop  }
0x186: {  	[tilespmem:s10], [sflag:$0x1] =	stream.indirect.gather [hbm4b:s2+s5], $0x40, s5, s5, $0xb8;
	[tilespmem:$0x10400] =	vst v63  }
0x187: {  	_ = 	snop  }
0x188: {  	[tilespmem:s12], [sflag:$0x1] =	stream.indirect.gather [hbm4b:s2+s5], $0x40, s11, s5, $0xb8;
	[tilespmem:$0x10400] =	vst v63  }
0x189: {  	_ = 	snop  }
0x18a: {  	[tilespmem:s14], [sflag:$0x1] =	stream.indirect.gather [hbm4b:s2+s5], $0x40, s13, s5, $0xb8;
	[tilespmem:$0x10400] =	vst v63  }
0x18b: {  	_ = 	snop  }
0x18c: {  	[tilespmem:s7], [sflag:$0x1] =	stream.indirect.gather [hbm4b:s2+s5], $0x40, s15, s5, $0xb8;
	[tilespmem:$0x10400] =	vst v63  }
0x18d: {  	_ = 	snop  }
0x18e: {  	[tilespmem:s17], [sflag:$0x1] =	stream.indirect.gather [hbm4b:s2+s5], $0x40, s16, s5, $0xb8;
	[tilespmem:$0x10400] =	vst v63  }
0x18f: {  	_ = 	snop  }
0x190: {  	[tilespmem:s19], [sflag:$0x1] =	stream.indirect.gather [hbm4b:s2+s5], $0x40, s18, s5, $0xb8;
	[tilespmem:$0x10400] =	vst v63  }
0x191: {  	_ = 	snop  }
0x192: {  	[tilespmem:s21], [sflag:$0x1] =	stream.indirect.gather [hbm4b:s2+s5], $0x40, s20, s5, $0xb8;
	[tilespmem:$0x10400] =	vst v63  }
0x193: {  	_ =	swait.ge [sflag:s9], $0x2000  }
0x194: {  	[sflag:s9] =	ssyncset.done $0x0  }
0x195: {  	[sflag:s9] =	ssyncadd.s32 $0xFFFFE000  }
0x196: {  	_ =	swait.ge [sflag:s9], $0x2000  }
0x197: {  	[sflag:s9] =	ssyncset.done $0x0  }
0x198: {  	[sflag:s9] =	ssyncadd.s32 $0xFFFFE000  }
0x199: {  	_ =	swait.ge [sflag:s9], $0x2000  }
0x19a: {  	[sflag:s9] =	ssyncset.done $0x0  }
0x19b: {  	[sflag:s9] =	ssyncadd.s32 $0xFFFFE000  }
0x19c: {  	_ =	swait.ge [sflag:s9], $0x2000  }
0x19d: {  	[sflag:s9] =	ssyncset.done $0x0  }
0x19e: {  	[sflag:s9] =	ssyncadd.s32 $0xFFFFE000  }
0x19f: {  	_ =	swait.ge [sflag:s9], $0x2000  }
0x1a0: {  	[sflag:s9] =	ssyncset.done $0x0  }
0x1a1: {  	[sflag:s9] =	ssyncadd.s32 $0xFFFFE000  }
0x1a2: {  	_ =	swait.ge [sflag:s9], $0x2000  }
0x1a3: {  	[sflag:s9] =	ssyncset.done $0x0  }
0x1a4: {  	[sflag:s9] =	ssyncadd.s32 $0xFFFFE000  }
0x1a5: {  	_ =	swait.ge [sflag:s9], $0x2000  }
0x1a6: {  	[sflag:s9] =	ssyncset.done $0x0  }
0x1a7: {  	[sflag:s9] =	ssyncadd.s32 $0xFFFFE000  }
0x1a8: {  	_ =	swait.ge [sflag:s9], $0x2000  }
0x1a9: {  	[sflag:s9] =	ssyncset.done $0x0  }
0x1aa: {  	s30 =	rddreg [dreg:$0x7];
	[sflag:s9] =	ssyncadd.s32 $0xFFFFE000  }
0x1ab: {  	[hbm4b:s30+s8] =	stream.strided.scatter [tilespmem:s6], [sflag:$0x2], $0x8000, s5, s8, $0x38;
	[tilespmem:$0x10400] =	vst v63  }
0x1ac: {  	_ =	swait.ge [sflag:s3], $0x8000  }
0x1ad: {  	[sflag:s3] =	ssyncset.done $0x0  }
0x1ae: {  	s31 =	rddreg [dreg:$0x8];
	[sflag:s3] =	ssyncadd.s32 $0xFFFF8000  }
0x1af: {  	[hbm4b:s31+s8] =	stream.strided.scatter [tilespmem:s7], [sflag:$0x2], $0x8000, s5, s8, $0x38;
	[tilespmem:$0x10400] =	vst v63  }
0x1b0: {  	_ =	swait.ge [sflag:s3], $0x8000  }
0x1b1: {  	s0 =	simm.s32 @!p0 $0x2;
	[sflag:s3] =	ssyncset.done $0x0  }
0x1b2: {  	s1 =	rddreg [dreg:$0x9];
	[sflag:s3] =	ssyncadd.s32 $0xFFFF8000;
	s3 =	simm.s32 @!p0 $0x0  }
0x1b3: {  	[tilespmem:s3], [sflag:$0x2] =	stream.linear.gather @!p0 [hbm4b:s1+s3], $0x400, $0x38;
	[tilespmem:$0x10400] =	vst v63  }
0x1b4: {  	_ =	swait.ge @!p0 [sflag:s0], $0x400  }
0x1b5: {  	[sflag:s0] =	ssyncset.done @!p0 $0x0  }
0x1b6: {  	s4 =	simm.s32 @!p0 $0x400;
	s1 =	simm.s32 @!p0 $0x80;
	[sflag:s0] =	ssyncadd.s32 @!p0 $0xFFFFFC00  }
0x1b7: {  	[tilespmem:s4], [sflag:$0x1] =	stream.indirect.gather @!p0 [hbm4b:s2+s1], $0x40, s3, s1, $0xb8;
	[tilespmem:$0x10400] =	vst v63  }
0x1b8: {  	s3 =	simm.s32 @!p0 $0x2400  }
0x1b9: {  	[tilespmem:s3], [sflag:$0x1] =	stream.indirect.gather @!p0 [hbm4b:s2+s1], $0x40, s1, s1, $0xb8;
	[tilespmem:$0x10400] =	vst v63  }
0x1ba: {  	s5 =	simm.s32 @!p0 $0x4400;
	s3 =	simm.s32 @!p0 $0x100  }
0x1bb: {  	[tilespmem:s5], [sflag:$0x1] =	stream.indirect.gather @!p0 [hbm4b:s2+s1], $0x40, s3, s1, $0xb8;
	[tilespmem:$0x10400] =	vst v63  }
0x1bc: {  	s3 =	simm.s32 @!p0 $0x180;
	s5 =	simm.s32 @!p0 $0x6400  }
0x1bd: {  	[tilespmem:s5], [sflag:$0x1] =	stream.indirect.gather @!p0 [hbm4b:s2+s1], $0x40, s3, s1, $0xb8;
	[tilespmem:$0x10400] =	vst v63  }
0x1be: {  	s3 =	simm.s32 @!p0 $0x200;
	s5 =	simm.s32 @!p0 $0x8400  }
0x1bf: {  	[tilespmem:s5], [sflag:$0x1] =	stream.indirect.gather @!p0 [hbm4b:s2+s1], $0x40, s3, s1, $0xb8;
	[tilespmem:$0x10400] =	vst v63  }
0x1c0: {  	s6 =	simm.s32 @!p0 $0xA400;
	s3 =	simm.s32 @!p0 $0x280  }
0x1c1: {  	[tilespmem:s6], [sflag:$0x1] =	stream.indirect.gather @!p0 [hbm4b:s2+s1], $0x40, s3, s1, $0xb8;
	[tilespmem:$0x10400] =	vst v63  }
0x1c2: {  	s3 =	simm.s32 @!p0 $0x300;
	s6 =	simm.s32 @!p0 $0xC400  }
0x1c3: {  	[tilespmem:s6], [sflag:$0x1] =	stream.indirect.gather @!p0 [hbm4b:s2+s1], $0x40, s3, s1, $0xb8;
	[tilespmem:$0x10400] =	vst v63  }
0x1c4: {  	s7 =	simm.s32 @!p0 $0x1;
	s3 =	simm.s32 @!p0 $0x380;
	s6 =	simm.s32 @!p0 $0xE400  }
0x1c5: {  	[tilespmem:s6], [sflag:$0x1] =	stream.indirect.gather @!p0 [hbm4b:s2+s1], $0x40, s3, s1, $0xb8;
	[tilespmem:$0x10400] =	vst v63  }
0x1c6: {  	_ =	swait.ge @!p0 [sflag:s7], $0x2000  }
0x1c7: {  	[sflag:s7] =	ssyncset.done @!p0 $0x0  }
0x1c8: {  	[sflag:s7] =	ssyncadd.s32 @!p0 $0xFFFFE000  }
0x1c9: {  	_ =	swait.ge @!p0 [sflag:s7], $0x2000  }
0x1ca: {  	[sflag:s7] =	ssyncset.done @!p0 $0x0  }
0x1cb: {  	[sflag:s7] =	ssyncadd.s32 @!p0 $0xFFFFE000  }
0x1cc: {  	_ =	swait.ge @!p0 [sflag:s7], $0x2000  }
0x1cd: {  	[sflag:s7] =	ssyncset.done @!p0 $0x0  }
0x1ce: {  	[sflag:s7] =	ssyncadd.s32 @!p0 $0xFFFFE000  }
0x1cf: {  	_ =	swait.ge @!p0 [sflag:s7], $0x2000  }
0x1d0: {  	[sflag:s7] =	ssyncset.done @!p0 $0x0  }
0x1d1: {  	[sflag:s7] =	ssyncadd.s32 @!p0 $0xFFFFE000  }
0x1d2: {  	_ =	swait.ge @!p0 [sflag:s7], $0x2000  }
0x1d3: {  	[sflag:s7] =	ssyncset.done @!p0 $0x0  }
0x1d4: {  	[sflag:s7] =	ssyncadd.s32 @!p0 $0xFFFFE000  }
0x1d5: {  	_ =	swait.ge @!p0 [sflag:s7], $0x2000  }
0x1d6: {  	[sflag:s7] =	ssyncset.done @!p0 $0x0  }
0x1d7: {  	[sflag:s7] =	ssyncadd.s32 @!p0 $0xFFFFE000  }
0x1d8: {  	_ =	swait.ge @!p0 [sflag:s7], $0x2000  }
0x1d9: {  	[sflag:s7] =	ssyncset.done @!p0 $0x0  }
0x1da: {  	[sflag:s7] =	ssyncadd.s32 @!p0 $0xFFFFE000  }
0x1db: {  	_ =	swait.ge @!p0 [sflag:s7], $0x2000  }
0x1dc: {  	[sflag:s7] =	ssyncset.done @!p0 $0x0  }
0x1dd: {  	s3 =	simm.s32 @!p0 $0x40;
	s2 =	rddreg [dreg:$0xa];
	[sflag:s7] =	ssyncadd.s32 @!p0 $0xFFFFE000  }
0x1de: {  	[hbm4b:s2+s3] =	stream.strided.scatter @!p0 [tilespmem:s4], [sflag:$0x2], $0x8000, s1, s3, $0x38;
	[tilespmem:$0x10400] =	vst v63  }
0x1df: {  	_ =	swait.ge @!p0 [sflag:s0], $0x8000  }
0x1e0: {  	[sflag:s0] =	ssyncset.done @!p0 $0x0  }
0x1e1: {  	s2 =	rddreg [dreg:$0xb];
	[sflag:s0] =	ssyncadd.s32 @!p0 $0xFFFF8000  }
0x1e2: {  	[hbm4b:s2+s3] =	stream.strided.scatter @!p0 [tilespmem:s5], [sflag:$0x2], $0x8000, s1, s3, $0x38;
	[tilespmem:$0x10400] =	vst v63  }
0x1e3: {  	_ =	swait.ge @!p0 [sflag:s0], $0x8000  }
0x1e4: {  	[sflag:s0] =	ssyncset.done @!p0 $0x0  }
0x1e5: {  	[sflag:s0] =	ssyncadd.s32 @!p0 $0xFFFF8000  }
0x1e6: {  	_ =	sfence.sel $0x180000  }
0x1e7: {  	[bflag:$0x0] =	sbarrier.arrive $0xFFFF  }
0x1e8: {  	p0 =	sne.s32 s23, $0x0;
	_ =	strace $0x90000047  }
0x1e9: {  	s0 =	sadd.s32 @!p0 $0x100000, s24;
	[bflag:$0x2] =	sbarrier.arrive $0xFFFF  }
0x1ea: {  	[sflag:s0] =	ssyncadd.tile.s32 @!p0 $0x1;
	_ =	shalt  }
.LBB2_1:
.Ltmp3:
0x1eb: {  	(pc) =	sbr.rel .LBB2_6-.Ltmp3, $2  }
0x1ec: {  	_ =	sdelay $0x2  }
0x1ed: {  	_ = 	snop  }
.LBB2_3:
.Ltmp4:
0x1ee: {  	(pc) =	sbr.rel .LBB2_6-.Ltmp4, $2  }
0x1ef: {  	_ =	sdelay $0x2  }
0x1f0: {  	s23 =	stileid.u32;
	s24 =	rddreg [dreg:$0x2]  }
.Lfunc_end2:
_tile_overlayer_lowered:
.L_overlay_start_2:
0x1f1: {  	(tag) =	ssettag $0x2  }
0x1f2: {  	s0 =	rddreg [dreg:$0x0];
	s2 =	stileid.u32  }
0x1f3: {  	s1 =	rddreg [dreg:$0x1];
	p0 =	sne.s32 s2, $0x0  }
0x1f4: {  	s3 =	rddreg [dreg:$0x2];
	[bflag:$0x3] =	sbarrier.arrive $0xFFFF;
	s2 =	simm.s32 @!p0 $0x1C02  }
0x1f5: {  	[timem:s3], [sflag:s2] =	dma.local @!p0 [hbm:s0], s1  }
0x1f6: {  	s0 =	simm.s32 @!p0 $0x2  }
0x1f7: {  	_ =	swait.ge @!p0 [sflag:s0], s1  }
0x1f8: {  	s1 =	ssub.s32 @!p0 $0x0, s1;
	[sflag:s0] =	ssyncset.done @!p0 $0x0  }
0x1f9: {  	[sflag:s0] =	ssyncadd.s32 @!p0 s1  }
0x1fa: {  	[bflag:$0x3] =	sbarrier.arrive $0xFFFF  }
0x1fb: {  	_ =	shalt  }

</sc_bundles>
